<compile_context>
chip_gen: v7x
topology: tpu7x:2x2x1
jax: 0.10.2.dev20260603
libtpu: 0.0.44.dev20260713+nightly
codegen_flags: <defaults>
</compile_context>

<pallas_src>
import jax
import jax.numpy as jnp
from jax import lax
from jax.experimental import pallas as pl
from jax.experimental.pallas import tpu as pltpu
from jax.experimental.pallas import tpu_sc as plsc

N = 100000
D = 128
NUM_DEGREE = 512

NC = 2
NS = 16
NW = NC * NS

G = 80
CH = 2 * G
NCHUNK = N // CH
NBUF = 3
ITERS = 21
BASE_CNT = NCHUNK // NW
EXTRA = NCHUNK % NW


def _sc_body(x_hbm, deg_hbm, tab_hbm, out_hbm,
             tab_sh, dega, xb0, xb1, xb2, gb0, gb1, gb2,
             gs0, gs1, gs2, xs0, xs1, xs2, os0, os1, os2):
    wid = lax.axis_index("s") * NC + lax.axis_index("c")
    sid = lax.axis_index("s")
    xbs = (xb0, xb1, xb2)
    gbs = (gb0, gb1, gb2)
    gss = (gs0, gs1, gs2)
    xss = (xs0, xs1, xs2)
    oss = (os0, os1, os2)

    @pl.when(sid == 0)
    def _():
        pltpu.sync_copy(tab_hbm, tab_sh)

    cnt_w = BASE_CNT + jnp.where(wid < EXTRA, 1, 0)
    start_w = wid * BASE_CNT + jnp.minimum(wid, EXTRA)

    pltpu.sync_copy(deg_hbm.at[pl.ds(start_w * CH, BASE_CNT * CH)],
                    dega.at[pl.ds(0, BASE_CNT * CH)])

    @pl.when(wid < EXTRA)
    def _():
        pltpu.sync_copy(deg_hbm.at[pl.ds(start_w * CH + BASE_CNT * CH, CH)],
                        dega.at[pl.ds(BASE_CNT * CH, CH)])

    plsc.subcore_barrier()

    def issue(t, b, owait):
        @pl.when(t < cnt_w)
        def _():
            base = (start_w + t) * CH

            @pl.when(owait)
            def _():
                pltpu.make_async_copy(
                    gbs[b], out_hbm.at[pl.ds(0, CH), :], oss[b]).wait()

            pltpu.async_copy(tab_sh.at[dega.at[pl.ds(t * CH, G)]],
                             gbs[b].at[pl.ds(0, G), :], gss[b])
            pltpu.async_copy(tab_sh.at[dega.at[pl.ds(t * CH + G, G)]],
                             gbs[b].at[pl.ds(G, G), :], gss[b])
            pltpu.async_copy(x_hbm.at[pl.ds(base, CH), :], xbs[b], xss[b])

    def work(t, b):
        @pl.when(t < cnt_w)
        def _():
            base = (start_w + t) * CH
            pltpu.make_async_copy(tab_sh.at[dega.at[pl.ds(t * CH, G)]],
                                  gbs[b].at[pl.ds(0, G), :], gss[b]).wait()
            pltpu.make_async_copy(tab_sh.at[dega.at[pl.ds(t * CH + G, G)]],
                                  gbs[b].at[pl.ds(G, G), :], gss[b]).wait()
            pltpu.make_async_copy(
                x_hbm.at[pl.ds(base, CH), :], xbs[b], xss[b]).wait()

            def row_body(r2, c2):
                for rr in range(2):
                    r = 2 * r2 + rr
                    for dcol in range(D // 16):
                        sl = pl.ds(dcol * 16, 16)
                        plsc.addupdate(gbs[b].at[r, sl], xbs[b][r, sl])
                return c2

            lax.fori_loop(0, CH // 2, row_body, 0)
            pltpu.async_copy(gbs[b], out_hbm.at[pl.ds(base, CH), :], oss[b])

    issue(0, 0, False)
    issue(1, 1, False)

    def outer_body(i, carry):
        t0 = NBUF * i
        for k in range(NBUF):
            nxt = t0 + k + 2
            issue(nxt, (k + 2) % NBUF, (i >= 1) | (k >= 1))
            work(t0 + k, k)
        return carry

    lax.fori_loop(0, ITERS // NBUF, outer_body, 0)

    for b in range(NBUF):
        pltpu.make_async_copy(gbs[b], out_hbm.at[pl.ds(0, CH), :], oss[b]).wait()


@jax.jit
def _run(x, degrees_i32, degree_table):
    kern = pl.kernel(
        _sc_body,
        out_type=jax.ShapeDtypeStruct((N, D), jnp.float32),
        mesh=plsc.VectorSubcoreMesh(core_axis_name="c", subcore_axis_name="s"),
        scratch_types=[
            pltpu.VMEM_SHARED((NUM_DEGREE, D), jnp.float32),
            pltpu.VMEM((ITERS * CH,), jnp.int32),
            pltpu.VMEM((CH, D), jnp.float32),
            pltpu.VMEM((CH, D), jnp.float32),
            pltpu.VMEM((CH, D), jnp.float32),
            pltpu.VMEM((CH, D), jnp.float32),
            pltpu.VMEM((CH, D), jnp.float32),
            pltpu.VMEM((CH, D), jnp.float32),
            pltpu.SemaphoreType.DMA,
            pltpu.SemaphoreType.DMA,
            pltpu.SemaphoreType.DMA,
            pltpu.SemaphoreType.DMA,
            pltpu.SemaphoreType.DMA,
            pltpu.SemaphoreType.DMA,
            pltpu.SemaphoreType.DMA,
            pltpu.SemaphoreType.DMA,
            pltpu.SemaphoreType.DMA,
        ],
    )
    return kern(x, degrees_i32, degree_table)


def kernel(x, degrees, degree_table):
    return _run(x, degrees.astype(jnp.int32), degree_table)

# --- scband reference (transcript-rebuilt; emitter-appended) ---
"""Pipeline reference for scband-weighted-node-encoder-52810917871947 (READ-ONLY COPY).

The authoritative reference and input builder live on the scoring server;
editing this copy changes nothing except your own understanding.
"""

import jax, jax.numpy as jnp
import numpy as np

N = 100000
EMBED_DIM = 128
NUM_DEGREE = 512


def setup_inputs(seed: int = 0) -> dict:
    key = jax.random.key(seed)
    k1, k2, k3 = jax.random.split(key, 3)
    x = jax.random.normal(k1, (N, EMBED_DIM), dtype=jnp.float32)
    degrees = jax.random.randint(k2, (N,), 0, NUM_DEGREE, dtype=jnp.int64)
    # degree_encoder weight initialized with std=0.02, matching reset_parameters
    degree_table = jax.random.normal(k3, (NUM_DEGREE, EMBED_DIM), dtype=jnp.float32) * 0.02
    return {"x": x, "degrees": degrees, "degree_table": degree_table}


def reference(x, degrees, degree_table):
    # undirected path: degree_encoding = degree_encoder(data.degrees)
    degree_encoding = jnp.take(degree_table, degrees, axis=0)
    # data.x has size(1) > 0, so x = x + degree_encoding
    out = x + degree_encoding
    # use_graph_token=False, input_dropout=0.0 (identity in eval/zero-p)
    return out

if __name__ == "__main__":
    import jax
    _d = setup_inputs()
    print(jax.jit(kernel)(*tuple(_d.values())))

</pallas_src>

<mosaic_0001>
#map = affine_map<(d0, d1) -> (0, 0)>
#map1 = affine_map<(d0, d1) -> (0)>
module attributes {stable_mosaic.version = 14 : i64} {
  func.func @_sc_body(%arg0: i32, %arg1: i32, %arg2: memref<100000x128xf32, #tpu.memory_space<hbm>>, %arg3: memref<100000xi32, #tpu.memory_space<hbm>>, %arg4: memref<512x128xf32, #tpu.memory_space<hbm>>, %arg5: memref<100000x128xf32, #tpu.memory_space<hbm>>, %arg6: memref<512x128xf32, #tpu.memory_space<vmem_shared>>, %arg7: memref<3360xi32, #tpu.memory_space<vmem>>, %arg8: memref<160x128xf32, #tpu.memory_space<vmem>>, %arg9: memref<160x128xf32, #tpu.memory_space<vmem>>, %arg10: memref<160x128xf32, #tpu.memory_space<vmem>>, %arg11: memref<160x128xf32, #tpu.memory_space<vmem>>, %arg12: memref<160x128xf32, #tpu.memory_space<vmem>>, %arg13: memref<160x128xf32, #tpu.memory_space<vmem>>, %arg14: memref<!tpu.dma_semaphore, #tpu.memory_space<semaphore_mem>>, %arg15: memref<!tpu.dma_semaphore, #tpu.memory_space<semaphore_mem>>, %arg16: memref<!tpu.dma_semaphore, #tpu.memory_space<semaphore_mem>>, %arg17: memref<!tpu.dma_semaphore, #tpu.memory_space<semaphore_mem>>, %arg18: memref<!tpu.dma_semaphore, #tpu.memory_space<semaphore_mem>>, %arg19: memref<!tpu.dma_semaphore, #tpu.memory_space<semaphore_mem>>, %arg20: memref<!tpu.dma_semaphore, #tpu.memory_space<semaphore_mem>>, %arg21: memref<!tpu.dma_semaphore, #tpu.memory_space<semaphore_mem>>, %arg22: memref<!tpu.dma_semaphore, #tpu.memory_space<semaphore_mem>>) attributes {dimension_semantics = [#tpu.dimension_semantics<core_parallel>, #tpu.dimension_semantics<subcore_parallel>], iteration_bounds = array<i64: 2, 16>, scalar_prefetch = 0 : i64, scratch_operands = 17 : i64, tpu.core_type = #tpu.core_type<sc_vector_subcore>, window_params = [{transform_indices = #map}, {transform_indices = #map1}, {transform_indices = #map}, {transform_indices = #map}]} {
    %mul3A = arith.constant 2 : i32
    %mul3A_0 = arith.muli %arg1, %mul3A : i32
    %add3A = arith.addi %mul3A_0, %arg0 : i32
    %eq3A = arith.constant 0 : i32
    %eq3A_1 = arith.cmpi eq, %arg1, %eq3A : i32
    %convert_element_type3A = arith.extui %eq3A_1 : i1 to i32
    %cond3A = arith.constant 0 : i32
    %cond3A_2 = arith.cmpi ne, %convert_element_type3A, %cond3A : i32
    scf.if %cond3A_2 {
      "tpu.region"() ({
        %run_scoped3A = tpu.sem_alloc : memref<!tpu.dma_semaphore, #tpu.memory_space<semaphore_mem>>
        tpu.enqueue_dma source(%arg4 : memref<512x128xf32, #tpu.memory_space<hbm>>) target(%arg6 : memref<512x128xf32, #tpu.memory_space<vmem_shared>>) target_semaphore(%run_scoped3A : memref<!tpu.dma_semaphore, #tpu.memory_space<semaphore_mem>>)
        tpu.wait_dma2 semaphore(%run_scoped3A : memref<!tpu.dma_semaphore, #tpu.memory_space<semaphore_mem>>) src(%arg4 : memref<512x128xf32, #tpu.memory_space<hbm>>) dst(%arg6 : memref<512x128xf32, #tpu.memory_space<vmem_shared>>)
        tpu.yield
      }) : () -> ()
    } else {
    }
    %lt3A = arith.constant 17 : i32
    %lt3A_3 = arith.cmpi slt, %add3A, %lt3A : i32
    %jit3A = arith.constant 1 : i32
    %jit3A_4 = arith.constant 0 : i32
    %select_n3A = arith.select %lt3A_3, %jit3A, %jit3A_4 : i32
    %add3A_5 = arith.constant 19 : i32
    %add3A_6 = arith.addi %add3A_5, %select_n3A : i32
    %mul3A_7 = arith.constant 19 : i32
    %mul3A_8 = arith.muli %add3A, %mul3A_7 : i32
    %min3A = arith.constant 17 : i32
    %min3A_9 = arith.minsi %add3A, %min3A : i32
    %add3A_10 = arith.addi %mul3A_8, %min3A_9 : i32
    %mul3A_11 = arith.constant 160 : i32
    %mul3A_12 = arith.muli %add3A_10, %mul3A_11 : i32
    "tpu.region"() ({
      %run_scoped3A = tpu.sem_alloc : memref<!tpu.dma_semaphore, #tpu.memory_space<semaphore_mem>>
      %dma_start3A = arith.constant 0 : i32
      %dma_start3A_49 = tpu.memref_slice %arg7[%dma_start3A] : memref<3360xi32, #tpu.memory_space<vmem>> -> memref<3040xi32, #tpu.memory_space<vmem>>
      %dma_start3A_50 = tpu.memref_slice %arg3[%mul3A_12] : memref<100000xi32, #tpu.memory_space<hbm>> -> memref<3040xi32, #tpu.memory_space<hbm>>
      %dma_start3A_51 = arith.constant 0 : i32
      %dma_start3A_52 = tpu.memref_slice %arg7[%dma_start3A_51] : memref<3360xi32, #tpu.memory_space<vmem>> -> memref<3040xi32, #tpu.memory_space<vmem>>
      %dma_start3A_53 = tpu.memref_slice %arg3[%mul3A_12] : memref<100000xi32, #tpu.memory_space<hbm>> -> memref<3040xi32, #tpu.memory_space<hbm>>
      tpu.enqueue_dma source(%dma_start3A_53 : memref<3040xi32, #tpu.memory_space<hbm>>) target(%dma_start3A_52 : memref<3040xi32, #tpu.memory_space<vmem>>) target_semaphore(%run_scoped3A : memref<!tpu.dma_semaphore, #tpu.memory_space<semaphore_mem>>)
      %dma_wait3A_54 = arith.constant 0 : i32
      %dma_wait3A_55 = tpu.memref_slice %arg7[%dma_wait3A_54] : memref<3360xi32, #tpu.memory_space<vmem>> -> memref<3040xi32, #tpu.memory_space<vmem>>
      %dma_wait3A_56 = tpu.memref_slice %arg3[%mul3A_12] : memref<100000xi32, #tpu.memory_space<hbm>> -> memref<3040xi32, #tpu.memory_space<hbm>>
      %dma_wait3A_57 = arith.constant 0 : i32
      %dma_wait3A_58 = tpu.memref_slice %arg7[%dma_wait3A_57] : memref<3360xi32, #tpu.memory_space<vmem>> -> memref<3040xi32, #tpu.memory_space<vmem>>
      %dma_wait3A_59 = tpu.memref_slice %arg3[%mul3A_12] : memref<100000xi32, #tpu.memory_space<hbm>> -> memref<3040xi32, #tpu.memory_space<hbm>>
      tpu.wait_dma2 semaphore(%run_scoped3A : memref<!tpu.dma_semaphore, #tpu.memory_space<semaphore_mem>>) src(%dma_wait3A_59 : memref<3040xi32, #tpu.memory_space<hbm>>) dst(%dma_wait3A_58 : memref<3040xi32, #tpu.memory_space<vmem>>)
      tpu.yield
    }) : () -> ()
    %lt3A_13 = arith.constant 17 : i32
    %lt3A_14 = arith.cmpi slt, %add3A, %lt3A_13 : i32
    %convert_element_type3A_15 = arith.extui %lt3A_14 : i1 to i32
    %cond3A_16 = arith.constant 0 : i32
    %cond3A_17 = arith.cmpi ne, %convert_element_type3A_15, %cond3A_16 : i32
    scf.if %cond3A_17 {
      %mul3A_49 = arith.constant 160 : i32
      %mul3A_50 = arith.muli %add3A_10, %mul3A_49 : i32
      %add3A_51 = arith.constant 3040 : i32
      %add3A_52 = arith.addi %mul3A_50, %add3A_51 : i32
      "tpu.region"() ({
        %run_scoped3A = tpu.sem_alloc : memref<!tpu.dma_semaphore, #tpu.memory_space<semaphore_mem>>
        %dma_start3A = arith.constant 3040 : i32
        %dma_start3A_53 = tpu.memref_slice %arg7[%dma_start3A] : memref<3360xi32, #tpu.memory_space<vmem>> -> memref<160xi32, #tpu.memory_space<vmem>>
        %dma_start3A_54 = tpu.memref_slice %arg3[%add3A_52] : memref<100000xi32, #tpu.memory_space<hbm>> -> memref<160xi32, #tpu.memory_space<hbm>>
        %dma_start3A_55 = arith.constant 3040 : i32
        %dma_start3A_56 = tpu.memref_slice %arg7[%dma_start3A_55] : memref<3360xi32, #tpu.memory_space<vmem>> -> memref<160xi32, #tpu.memory_space<vmem>>
        %dma_start3A_57 = tpu.memref_slice %arg3[%add3A_52] : memref<100000xi32, #tpu.memory_space<hbm>> -> memref<160xi32, #tpu.memory_space<hbm>>
        tpu.enqueue_dma source(%dma_start3A_57 : memref<160xi32, #tpu.memory_space<hbm>>) target(%dma_start3A_56 : memref<160xi32, #tpu.memory_space<vmem>>) target_semaphore(%run_scoped3A : memref<!tpu.dma_semaphore, #tpu.memory_space<semaphore_mem>>)
        %dma_wait3A_58 = arith.constant 3040 : i32
        %dma_wait3A_59 = tpu.memref_slice %arg7[%dma_wait3A_58] : memref<3360xi32, #tpu.memory_space<vmem>> -> memref<160xi32, #tpu.memory_space<vmem>>
        %dma_wait3A_60 = tpu.memref_slice %arg3[%add3A_52] : memref<100000xi32, #tpu.memory_space<hbm>> -> memref<160xi32, #tpu.memory_space<hbm>>
        %dma_wait3A_61 = arith.constant 3040 : i32
        %dma_wait3A_62 = tpu.memref_slice %arg7[%dma_wait3A_61] : memref<3360xi32, #tpu.memory_space<vmem>> -> memref<160xi32, #tpu.memory_space<vmem>>
        %dma_wait3A_63 = tpu.memref_slice %arg3[%add3A_52] : memref<100000xi32, #tpu.memory_space<hbm>> -> memref<160xi32, #tpu.memory_space<hbm>>
        tpu.wait_dma2 semaphore(%run_scoped3A : memref<!tpu.dma_semaphore, #tpu.memory_space<semaphore_mem>>) src(%dma_wait3A_63 : memref<160xi32, #tpu.memory_space<hbm>>) dst(%dma_wait3A_62 : memref<160xi32, #tpu.memory_space<vmem>>)
        tpu.yield
      }) : () -> ()
    } else {
    }
    %barrier3A = arith.constant 0 : index
    tpu.barrier barrier_id(%barrier3A)
    %gt3A = arith.constant 0 : i32
    %gt3A_18 = arith.cmpi sgt, %add3A_6, %gt3A : i32
    %convert_element_type3A_19 = arith.extui %gt3A_18 : i1 to i32
    %cond3A_20 = arith.constant 0 : i32
    %cond3A_21 = arith.cmpi ne, %convert_element_type3A_19, %cond3A_20 : i32
    scf.if %cond3A_21 {
      %add3A_49 = arith.constant 0 : i32
      %add3A_50 = arith.addi %add3A_10, %add3A_49 : i32
      %mul3A_51 = arith.constant 160 : i32
      %mul3A_52 = arith.muli %add3A_50, %mul3A_51 : i32
      %dma_start3A = arith.constant 0 : i32
      %dma_start3A_53 = arith.constant 0 : i32
      %dma_start3A_54 = tpu.memref_slice %arg11[%dma_start3A, %dma_start3A_53] : memref<160x128xf32, #tpu.memory_space<vmem>> -> memref<80x128xf32, #tpu.memory_space<vmem>>
      %dma_start3A_55 = arith.constant 0 : i32
      %dma_start3A_56 = tpu.memref_slice %arg7[%dma_start3A_55] : memref<3360xi32, #tpu.memory_space<vmem>> -> memref<80xi32, #tpu.memory_space<vmem>>
      %dma_start3A_57 = arith.constant 0 : i32
      %dma_start3A_58 = arith.constant 0 : i32
      %dma_start3A_59 = tpu.memref_slice %arg6[%dma_start3A_57, %dma_start3A_58] : memref<512x128xf32, #tpu.memory_space<vmem_shared>> -> memref<512x128xf32, #tpu.memory_space<vmem_shared>>
      tpu.enqueue_indirect_dma source(%dma_start3A_59 : memref<512x128xf32, #tpu.memory_space<vmem_shared>>) target(%dma_start3A_54 : memref<80x128xf32, #tpu.memory_space<vmem>>) offsets(%dma_start3A_56 : memref<80xi32, #tpu.memory_space<vmem>>) semaphore(%arg14 : memref<!tpu.dma_semaphore, #tpu.memory_space<semaphore_mem>>)
      %dma_start3A_60 = arith.constant 80 : i32
      %dma_start3A_61 = arith.constant 0 : i32
      %dma_start3A_62 = tpu.memref_slice %arg11[%dma_start3A_60, %dma_start3A_61] : memref<160x128xf32, #tpu.memory_space<vmem>> -> memref<80x128xf32, #tpu.memory_space<vmem>>
      %dma_start3A_63 = arith.constant 80 : i32
      %dma_start3A_64 = tpu.memref_slice %arg7[%dma_start3A_63] : memref<3360xi32, #tpu.memory_space<vmem>> -> memref<80xi32, #tpu.memory_space<vmem>>
      %dma_start3A_65 = arith.constant 0 : i32
      %dma_start3A_66 = arith.constant 0 : i32
      %dma_start3A_67 = tpu.memref_slice %arg6[%dma_start3A_65, %dma_start3A_66] : memref<512x128xf32, #tpu.memory_space<vmem_shared>> -> memref<512x128xf32, #tpu.memory_space<vmem_shared>>
      tpu.enqueue_indirect_dma source(%dma_start3A_67 : memref<512x128xf32, #tpu.memory_space<vmem_shared>>) target(%dma_start3A_62 : memref<80x128xf32, #tpu.memory_space<vmem>>) offsets(%dma_start3A_64 : memref<80xi32, #tpu.memory_space<vmem>>) semaphore(%arg14 : memref<!tpu.dma_semaphore, #tpu.memory_space<semaphore_mem>>)
      %dma_start3A_68 = arith.constant 0 : i32
      %dma_start3A_69 = tpu.memref_slice %arg2[%mul3A_52, %dma_start3A_68] : memref<100000x128xf32, #tpu.memory_space<hbm>> -> memref<160x128xf32, #tpu.memory_space<hbm>>
      %dma_start3A_70 = arith.constant 0 : i32
      %dma_start3A_71 = tpu.memref_slice %arg2[%mul3A_52, %dma_start3A_70] : memref<100000x128xf32, #tpu.memory_space<hbm>> -> memref<160x128xf32, #tpu.memory_space<hbm>>
      tpu.enqueue_dma source(%dma_start3A_71 : memref<160x128xf32, #tpu.memory_space<hbm>>) target(%arg8 : memref<160x128xf32, #tpu.memory_space<vmem>>) target_semaphore(%arg17 : memref<!tpu.dma_semaphore, #tpu.memory_space<semaphore_mem>>)
    } else {
    }
    %gt3A_22 = arith.constant 1 : i32
    %gt3A_23 = arith.cmpi sgt, %add3A_6, %gt3A_22 : i32
    %convert_element_type3A_24 = arith.extui %gt3A_23 : i1 to i32
    %cond3A_25 = arith.constant 0 : i32
    %cond3A_26 = arith.cmpi ne, %convert_element_type3A_24, %cond3A_25 : i32
    scf.if %cond3A_26 {
      %add3A_49 = arith.constant 1 : i32
      %add3A_50 = arith.addi %add3A_10, %add3A_49 : i32
      %mul3A_51 = arith.constant 160 : i32
      %mul3A_52 = arith.muli %add3A_50, %mul3A_51 : i32
      %dma_start3A = arith.constant 0 : i32
      %dma_start3A_53 = arith.constant 0 : i32
      %dma_start3A_54 = tpu.memref_slice %arg12[%dma_start3A, %dma_start3A_53] : memref<160x128xf32, #tpu.memory_space<vmem>> -> memref<80x128xf32, #tpu.memory_space<vmem>>
      %dma_start3A_55 = arith.constant 160 : i32
      %dma_start3A_56 = tpu.memref_slice %arg7[%dma_start3A_55] : memref<3360xi32, #tpu.memory_space<vmem>> -> memref<80xi32, #tpu.memory_space<vmem>>
      %dma_start3A_57 = arith.constant 0 : i32
      %dma_start3A_58 = arith.constant 0 : i32
      %dma_start3A_59 = tpu.memref_slice %arg6[%dma_start3A_57, %dma_start3A_58] : memref<512x128xf32, #tpu.memory_space<vmem_shared>> -> memref<512x128xf32, #tpu.memory_space<vmem_shared>>
      tpu.enqueue_indirect_dma source(%dma_start3A_59 : memref<512x128xf32, #tpu.memory_space<vmem_shared>>) target(%dma_start3A_54 : memref<80x128xf32, #tpu.memory_space<vmem>>) offsets(%dma_start3A_56 : memref<80xi32, #tpu.memory_space<vmem>>) semaphore(%arg15 : memref<!tpu.dma_semaphore, #tpu.memory_space<semaphore_mem>>)
      %dma_start3A_60 = arith.constant 80 : i32
      %dma_start3A_61 = arith.constant 0 : i32
      %dma_start3A_62 = tpu.memref_slice %arg12[%dma_start3A_60, %dma_start3A_61] : memref<160x128xf32, #tpu.memory_space<vmem>> -> memref<80x128xf32, #tpu.memory_space<vmem>>
      %dma_start3A_63 = arith.constant 240 : i32
      %dma_start3A_64 = tpu.memref_slice %arg7[%dma_start3A_63] : memref<3360xi32, #tpu.memory_space<vmem>> -> memref<80xi32, #tpu.memory_space<vmem>>
      %dma_start3A_65 = arith.constant 0 : i32
      %dma_start3A_66 = arith.constant 0 : i32
      %dma_start3A_67 = tpu.memref_slice %arg6[%dma_start3A_65, %dma_start3A_66] : memref<512x128xf32, #tpu.memory_space<vmem_shared>> -> memref<512x128xf32, #tpu.memory_space<vmem_shared>>
      tpu.enqueue_indirect_dma source(%dma_start3A_67 : memref<512x128xf32, #tpu.memory_space<vmem_shared>>) target(%dma_start3A_62 : memref<80x128xf32, #tpu.memory_space<vmem>>) offsets(%dma_start3A_64 : memref<80xi32, #tpu.memory_space<vmem>>) semaphore(%arg15 : memref<!tpu.dma_semaphore, #tpu.memory_space<semaphore_mem>>)
      %dma_start3A_68 = arith.constant 0 : i32
      %dma_start3A_69 = tpu.memref_slice %arg2[%mul3A_52, %dma_start3A_68] : memref<100000x128xf32, #tpu.memory_space<hbm>> -> memref<160x128xf32, #tpu.memory_space<hbm>>
      %dma_start3A_70 = arith.constant 0 : i32
      %dma_start3A_71 = tpu.memref_slice %arg2[%mul3A_52, %dma_start3A_70] : memref<100000x128xf32, #tpu.memory_space<hbm>> -> memref<160x128xf32, #tpu.memory_space<hbm>>
      tpu.enqueue_dma source(%dma_start3A_71 : memref<160x128xf32, #tpu.memory_space<hbm>>) target(%arg9 : memref<160x128xf32, #tpu.memory_space<vmem>>) target_semaphore(%arg18 : memref<!tpu.dma_semaphore, #tpu.memory_space<semaphore_mem>>)
    } else {
    }
    %scan3A = arith.constant 0 : i32
    %scan3A_27 = arith.constant 0 : i32
    %scan3A_28 = arith.constant 7 : i32
    %scan3A_29 = arith.addi %scan3A_27, %scan3A_28 : i32
    %scan3A_30 = arith.constant 1 : i32
    scf.for %scan3A_49 = %scan3A_27 to %scan3A_29 step %scan3A_30  : i32 {
      %mul3A_50 = arith.constant 3 : i32
      %mul3A_51 = arith.muli %mul3A_50, %scan3A_49 : i32
      %add3A_52 = arith.constant 0 : i32
      %add3A_53 = arith.addi %mul3A_51, %add3A_52 : i32
      %add3A_54 = arith.constant 2 : i32
      %add3A_55 = arith.addi %add3A_53, %add3A_54 : i32
      %ge3A = arith.constant 1 : i32
      %ge3A_56 = arith.cmpi sge, %scan3A_49, %ge3A : i32
      %or3A = arith.constant false
      %or3A_57 = arith.ori %ge3A_56, %or3A : i1
      %lt3A_58 = arith.cmpi slt, %add3A_55, %add3A_6 : i32
      %convert_element_type3A_59 = arith.extui %lt3A_58 : i1 to i32
      %cond3A_60 = arith.constant 0 : i32
      %cond3A_61 = arith.cmpi ne, %convert_element_type3A_59, %cond3A_60 : i32
      scf.if %cond3A_61 {
        %add3A_104 = arith.addi %add3A_10, %add3A_55 : i32
        %mul3A_105 = arith.constant 160 : i32
        %mul3A_106 = arith.muli %add3A_104, %mul3A_105 : i32
        %convert_element_type3A_107 = arith.extui %or3A_57 : i1 to i32
        %cond3A_108 = arith.constant 0 : i32
        %cond3A_109 = arith.cmpi ne, %convert_element_type3A_107, %cond3A_108 : i32
        scf.if %cond3A_109 {
          %dma_wait3A_133 = arith.constant 0 : i32
          %dma_wait3A_134 = arith.constant 0 : i32
          %dma_wait3A_135 = tpu.memref_slice %arg5[%dma_wait3A_133, %dma_wait3A_134] : memref<100000x128xf32, #tpu.memory_space<hbm>> -> memref<160x128xf32, #tpu.memory_space<hbm>>
          %dma_wait3A_136 = arith.constant 0 : i32
          %dma_wait3A_137 = arith.constant 0 : i32
          %dma_wait3A_138 = tpu.memref_slice %arg5[%dma_wait3A_136, %dma_wait3A_137] : memref<100000x128xf32, #tpu.memory_space<hbm>> -> memref<160x128xf32, #tpu.memory_space<hbm>>
          tpu.wait_dma2 semaphore(%arg22 : memref<!tpu.dma_semaphore, #tpu.memory_space<semaphore_mem>>) src(%arg13 : memref<160x128xf32, #tpu.memory_space<vmem>>) dst(%dma_wait3A_138 : memref<160x128xf32, #tpu.memory_space<hbm>>)
        } else {
        }
        %mul3A_110 = arith.constant 160 : i32
        %mul3A_111 = arith.muli %add3A_55, %mul3A_110 : i32
        %dma_start3A = arith.constant 0 : i32
        %dma_start3A_112 = arith.constant 0 : i32
        %dma_start3A_113 = tpu.memref_slice %arg13[%dma_start3A, %dma_start3A_112] : memref<160x128xf32, #tpu.memory_space<vmem>> -> memref<80x128xf32, #tpu.memory_space<vmem>>
        %dma_start3A_114 = tpu.memref_slice %arg7[%mul3A_111] : memref<3360xi32, #tpu.memory_space<vmem>> -> memref<80xi32, #tpu.memory_space<vmem>>
        %dma_start3A_115 = arith.constant 0 : i32
        %dma_start3A_116 = arith.constant 0 : i32
        %dma_start3A_117 = tpu.memref_slice %arg6[%dma_start3A_115, %dma_start3A_116] : memref<512x128xf32, #tpu.memory_space<vmem_shared>> -> memref<512x128xf32, #tpu.memory_space<vmem_shared>>
        tpu.enqueue_indirect_dma source(%dma_start3A_117 : memref<512x128xf32, #tpu.memory_space<vmem_shared>>) target(%dma_start3A_113 : memref<80x128xf32, #tpu.memory_space<vmem>>) offsets(%dma_start3A_114 : memref<80xi32, #tpu.memory_space<vmem>>) semaphore(%arg16 : memref<!tpu.dma_semaphore, #tpu.memory_space<semaphore_mem>>)
        %mul3A_118 = arith.constant 160 : i32
        %mul3A_119 = arith.muli %add3A_55, %mul3A_118 : i32
        %add3A_120 = arith.constant 80 : i32
        %add3A_121 = arith.addi %mul3A_119, %add3A_120 : i32
        %dma_start3A_122 = arith.constant 80 : i32
        %dma_start3A_123 = arith.constant 0 : i32
        %dma_start3A_124 = tpu.memref_slice %arg13[%dma_start3A_122, %dma_start3A_123] : memref<160x128xf32, #tpu.memory_space<vmem>> -> memref<80x128xf32, #tpu.memory_space<vmem>>
        %dma_start3A_125 = tpu.memref_slice %arg7[%add3A_121] : memref<3360xi32, #tpu.memory_space<vmem>> -> memref<80xi32, #tpu.memory_space<vmem>>
        %dma_start3A_126 = arith.constant 0 : i32
        %dma_start3A_127 = arith.constant 0 : i32
        %dma_start3A_128 = tpu.memref_slice %arg6[%dma_start3A_126, %dma_start3A_127] : memref<512x128xf32, #tpu.memory_space<vmem_shared>> -> memref<512x128xf32, #tpu.memory_space<vmem_shared>>
        tpu.enqueue_indirect_dma source(%dma_start3A_128 : memref<512x128xf32, #tpu.memory_space<vmem_shared>>) target(%dma_start3A_124 : memref<80x128xf32, #tpu.memory_space<vmem>>) offsets(%dma_start3A_125 : memref<80xi32, #tpu.memory_space<vmem>>) semaphore(%arg16 : memref<!tpu.dma_semaphore, #tpu.memory_space<semaphore_mem>>)
        %dma_start3A_129 = arith.constant 0 : i32
        %dma_start3A_130 = tpu.memref_slice %arg2[%mul3A_106, %dma_start3A_129] : memref<100000x128xf32, #tpu.memory_space<hbm>> -> memref<160x128xf32, #tpu.memory_space<hbm>>
        %dma_start3A_131 = arith.constant 0 : i32
        %dma_start3A_132 = tpu.memref_slice %arg2[%mul3A_106, %dma_start3A_131] : memref<100000x128xf32, #tpu.memory_space<hbm>> -> memref<160x128xf32, #tpu.memory_space<hbm>>
        tpu.enqueue_dma source(%dma_start3A_132 : memref<160x128xf32, #tpu.memory_space<hbm>>) target(%arg10 : memref<160x128xf32, #tpu.memory_space<vmem>>) target_semaphore(%arg19 : memref<!tpu.dma_semaphore, #tpu.memory_space<semaphore_mem>>)
      } else {
      }
      %add3A_62 = arith.constant 0 : i32
      %add3A_63 = arith.addi %mul3A_51, %add3A_62 : i32
      %lt3A_64 = arith.cmpi slt, %add3A_63, %add3A_6 : i32
      %convert_element_type3A_65 = arith.extui %lt3A_64 : i1 to i32
      %cond3A_66 = arith.constant 0 : i32
      %cond3A_67 = arith.cmpi ne, %convert_element_type3A_65, %cond3A_66 : i32
      scf.if %cond3A_67 {
        %add3A_104 = arith.addi %add3A_10, %add3A_63 : i32
        %mul3A_105 = arith.constant 160 : i32
        %mul3A_106 = arith.muli %add3A_104, %mul3A_105 : i32
        %mul3A_107 = arith.constant 160 : i32
        %mul3A_108 = arith.muli %add3A_63, %mul3A_107 : i32
        %dma_wait3A_109 = arith.constant 0 : i32
        %dma_wait3A_110 = arith.constant 0 : i32
        %dma_wait3A_111 = tpu.memref_slice %arg11[%dma_wait3A_109, %dma_wait3A_110] : memref<160x128xf32, #tpu.memory_space<vmem>> -> memref<80x128xf32, #tpu.memory_space<vmem>>
        %dma_wait3A_112 = tpu.memref_slice %arg7[%mul3A_108] : memref<3360xi32, #tpu.memory_space<vmem>> -> memref<80xi32, #tpu.memory_space<vmem>>
        %dma_wait3A_113 = arith.constant 0 : i32
        %dma_wait3A_114 = arith.constant 0 : i32
        %dma_wait3A_115 = tpu.memref_slice %arg6[%dma_wait3A_113, %dma_wait3A_114] : memref<512x128xf32, #tpu.memory_space<vmem_shared>> -> memref<512x128xf32, #tpu.memory_space<vmem_shared>>
        tpu.wait_indirect_dma semaphore(%arg14 : memref<!tpu.dma_semaphore, #tpu.memory_space<semaphore_mem>>) src(%dma_wait3A_115 : memref<512x128xf32, #tpu.memory_space<vmem_shared>>) dst(%dma_wait3A_111 : memref<80x128xf32, #tpu.memory_space<vmem>>)
        %mul3A_116 = arith.constant 160 : i32
        %mul3A_117 = arith.muli %add3A_63, %mul3A_116 : i32
        %add3A_118 = arith.constant 80 : i32
        %add3A_119 = arith.addi %mul3A_117, %add3A_118 : i32
        %dma_wait3A_120 = arith.constant 80 : i32
        %dma_wait3A_121 = arith.constant 0 : i32
        %dma_wait3A_122 = tpu.memref_slice %arg11[%dma_wait3A_120, %dma_wait3A_121] : memref<160x128xf32, #tpu.memory_space<vmem>> -> memref<80x128xf32, #tpu.memory_space<vmem>>
        %dma_wait3A_123 = tpu.memref_slice %arg7[%add3A_119] : memref<3360xi32, #tpu.memory_space<vmem>> -> memref<80xi32, #tpu.memory_space<vmem>>
        %dma_wait3A_124 = arith.constant 0 : i32
        %dma_wait3A_125 = arith.constant 0 : i32
        %dma_wait3A_126 = tpu.memref_slice %arg6[%dma_wait3A_124, %dma_wait3A_125] : memref<512x128xf32, #tpu.memory_space<vmem_shared>> -> memref<512x128xf32, #tpu.memory_space<vmem_shared>>
        tpu.wait_indirect_dma semaphore(%arg14 : memref<!tpu.dma_semaphore, #tpu.memory_space<semaphore_mem>>) src(%dma_wait3A_126 : memref<512x128xf32, #tpu.memory_space<vmem_shared>>) dst(%dma_wait3A_122 : memref<80x128xf32, #tpu.memory_space<vmem>>)
        %dma_wait3A_127 = arith.constant 0 : i32
        %dma_wait3A_128 = tpu.memref_slice %arg2[%mul3A_106, %dma_wait3A_127] : memref<100000x128xf32, #tpu.memory_space<hbm>> -> memref<160x128xf32, #tpu.memory_space<hbm>>
        %dma_wait3A_129 = arith.constant 0 : i32
        %dma_wait3A_130 = tpu.memref_slice %arg2[%mul3A_106, %dma_wait3A_129] : memref<100000x128xf32, #tpu.memory_space<hbm>> -> memref<160x128xf32, #tpu.memory_space<hbm>>
        tpu.wait_dma2 semaphore(%arg17 : memref<!tpu.dma_semaphore, #tpu.memory_space<semaphore_mem>>) src(%dma_wait3A_130 : memref<160x128xf32, #tpu.memory_space<hbm>>) dst(%arg8 : memref<160x128xf32, #tpu.memory_space<vmem>>)
        %scan3A_131 = arith.constant 0 : i32
        %scan3A_132 = arith.constant 0 : i32
        %scan3A_133 = arith.constant 80 : i32
        %scan3A_134 = arith.addi %scan3A_132, %scan3A_133 : i32
        %scan3A_135 = arith.constant 1 : i32
        scf.for %scan3A_140 = %scan3A_132 to %scan3A_134 step %scan3A_135  : i32 {
          %mul3A_141 = arith.constant 2 : i32
          %mul3A_142 = arith.muli %mul3A_141, %scan3A_140 : i32
          %add3A_143 = arith.constant 0 : i32
          %add3A_144 = arith.addi %mul3A_142, %add3A_143 : i32
          %get3A = arith.index_cast %add3A_144 : i32 to index
          %get3A_145 = arith.constant 0 : index
          %get3A_146 = tpu.vector_load %arg8[%get3A, %get3A_145] {strides = array<i32>} : memref<160x128xf32, #tpu.memory_space<vmem>>, vector<1x16xf32>,
          %get3A_147 = vector.shape_cast %get3A_146 : vector<1x16xf32> to vector<16xf32>
          %swap3A = arith.index_cast %add3A_144 : i32 to index
          %swap3A_148 = arith.constant 0 : index
          %swap3A_149 = tpu.vector_load %arg11[%swap3A, %swap3A_148] {strides = array<i32>} : memref<160x128xf32, #tpu.memory_space<vmem>>, vector<1x16xf32>,
          %swap3A_150 = vector.shape_cast %swap3A_149 : vector<1x16xf32> to vector<16xf32>
          %swap3A_151 = vector.shape_cast %get3A_147 : vector<16xf32> to vector<1x16xf32>
          tpu.vector_store %arg11[%swap3A, %swap3A_148], %swap3A_151 {add = true, strides = array<i32>} : memref<160x128xf32, #tpu.memory_space<vmem>>, vector<1x16xf32>,
          %get3A_152 = arith.index_cast %add3A_144 : i32 to index
          %get3A_153 = arith.constant 16 : index
          %get3A_154 = tpu.vector_load %arg8[%get3A_152, %get3A_153] {strides = array<i32>} : memref<160x128xf32, #tpu.memory_space<vmem>>, vector<1x16xf32>,
          %get3A_155 = vector.shape_cast %get3A_154 : vector<1x16xf32> to vector<16xf32>
          %swap3A_156 = arith.index_cast %add3A_144 : i32 to index
          %swap3A_157 = arith.constant 16 : index
          %swap3A_158 = tpu.vector_load %arg11[%swap3A_156, %swap3A_157] {strides = array<i32>} : memref<160x128xf32, #tpu.memory_space<vmem>>, vector<1x16xf32>,
          %swap3A_159 = vector.shape_cast %swap3A_158 : vector<1x16xf32> to vector<16xf32>
          %swap3A_160 = vector.shape_cast %get3A_155 : vector<16xf32> to vector<1x16xf32>
          tpu.vector_store %arg11[%swap3A_156, %swap3A_157], %swap3A_160 {add = true, strides = array<i32>} : memref<160x128xf32, #tpu.memory_space<vmem>>, vector<1x16xf32>,
          %get3A_161 = arith.index_cast %add3A_144 : i32 to index
          %get3A_162 = arith.constant 32 : index
          %get3A_163 = tpu.vector_load %arg8[%get3A_161, %get3A_162] {strides = array<i32>} : memref<160x128xf32, #tpu.memory_space<vmem>>, vector<1x16xf32>,
          %get3A_164 = vector.shape_cast %get3A_163 : vector<1x16xf32> to vector<16xf32>
          %swap3A_165 = arith.index_cast %add3A_144 : i32 to index
          %swap3A_166 = arith.constant 32 : index
          %swap3A_167 = tpu.vector_load %arg11[%swap3A_165, %swap3A_166] {strides = array<i32>} : memref<160x128xf32, #tpu.memory_space<vmem>>, vector<1x16xf32>,
          %swap3A_168 = vector.shape_cast %swap3A_167 : vector<1x16xf32> to vector<16xf32>
          %swap3A_169 = vector.shape_cast %get3A_164 : vector<16xf32> to vector<1x16xf32>
          tpu.vector_store %arg11[%swap3A_165, %swap3A_166], %swap3A_169 {add = true, strides = array<i32>} : memref<160x128xf32, #tpu.memory_space<vmem>>, vector<1x16xf32>,
          %get3A_170 = arith.index_cast %add3A_144 : i32 to index
          %get3A_171 = arith.constant 48 : index
          %get3A_172 = tpu.vector_load %arg8[%get3A_170, %get3A_171] {strides = array<i32>} : memref<160x128xf32, #tpu.memory_space<vmem>>, vector<1x16xf32>,
          %get3A_173 = vector.shape_cast %get3A_172 : vector<1x16xf32> to vector<16xf32>
          %swap3A_174 = arith.index_cast %add3A_144 : i32 to index
          %swap3A_175 = arith.constant 48 : index
          %swap3A_176 = tpu.vector_load %arg11[%swap3A_174, %swap3A_175] {strides = array<i32>} : memref<160x128xf32, #tpu.memory_space<vmem>>, vector<1x16xf32>,
          %swap3A_177 = vector.shape_cast %swap3A_176 : vector<1x16xf32> to vector<16xf32>
          %swap3A_178 = vector.shape_cast %get3A_173 : vector<16xf32> to vector<1x16xf32>
          tpu.vector_store %arg11[%swap3A_174, %swap3A_175], %swap3A_178 {add = true, strides = array<i32>} : memref<160x128xf32, #tpu.memory_space<vmem>>, vector<1x16xf32>,
          %get3A_179 = arith.index_cast %add3A_144 : i32 to index
          %get3A_180 = arith.constant 64 : index
          %get3A_181 = tpu.vector_load %arg8[%get3A_179, %get3A_180] {strides = array<i32>} : memref<160x128xf32, #tpu.memory_space<vmem>>, vector<1x16xf32>,
          %get3A_182 = vector.shape_cast %get3A_181 : vector<1x16xf32> to vector<16xf32>
          %swap3A_183 = arith.index_cast %add3A_144 : i32 to index
          %swap3A_184 = arith.constant 64 : index
          %swap3A_185 = tpu.vector_load %arg11[%swap3A_183, %swap3A_184] {strides = array<i32>} : memref<160x128xf32, #tpu.memory_space<vmem>>, vector<1x16xf32>,
          %swap3A_186 = vector.shape_cast %swap3A_185 : vector<1x16xf32> to vector<16xf32>
          %swap3A_187 = vector.shape_cast %get3A_182 : vector<16xf32> to vector<1x16xf32>
          tpu.vector_store %arg11[%swap3A_183, %swap3A_184], %swap3A_187 {add = true, strides = array<i32>} : memref<160x128xf32, #tpu.memory_space<vmem>>, vector<1x16xf32>,
          %get3A_188 = arith.index_cast %add3A_144 : i32 to index
          %get3A_189 = arith.constant 80 : index
          %get3A_190 = tpu.vector_load %arg8[%get3A_188, %get3A_189] {strides = array<i32>} : memref<160x128xf32, #tpu.memory_space<vmem>>, vector<1x16xf32>,
          %get3A_191 = vector.shape_cast %get3A_190 : vector<1x16xf32> to vector<16xf32>
          %swap3A_192 = arith.index_cast %add3A_144 : i32 to index
          %swap3A_193 = arith.constant 80 : index
          %swap3A_194 = tpu.vector_load %arg11[%swap3A_192, %swap3A_193] {strides = array<i32>} : memref<160x128xf32, #tpu.memory_space<vmem>>, vector<1x16xf32>,
          %swap3A_195 = vector.shape_cast %swap3A_194 : vector<1x16xf32> to vector<16xf32>
          %swap3A_196 = vector.shape_cast %get3A_191 : vector<16xf32> to vector<1x16xf32>
          tpu.vector_store %arg11[%swap3A_192, %swap3A_193], %swap3A_196 {add = true, strides = array<i32>} : memref<160x128xf32, #tpu.memory_space<vmem>>, vector<1x16xf32>,
          %get3A_197 = arith.index_cast %add3A_144 : i32 to index
          %get3A_198 = arith.constant 96 : index
          %get3A_199 = tpu.vector_load %arg8[%get3A_197, %get3A_198] {strides = array<i32>} : memref<160x128xf32, #tpu.memory_space<vmem>>, vector<1x16xf32>,
          %get3A_200 = vector.shape_cast %get3A_199 : vector<1x16xf32> to vector<16xf32>
          %swap3A_201 = arith.index_cast %add3A_144 : i32 to index
          %swap3A_202 = arith.constant 96 : index
          %swap3A_203 = tpu.vector_load %arg11[%swap3A_201, %swap3A_202] {strides = array<i32>} : memref<160x128xf32, #tpu.memory_space<vmem>>, vector<1x16xf32>,
          %swap3A_204 = vector.shape_cast %swap3A_203 : vector<1x16xf32> to vector<16xf32>
          %swap3A_205 = vector.shape_cast %get3A_200 : vector<16xf32> to vector<1x16xf32>
          tpu.vector_store %arg11[%swap3A_201, %swap3A_202], %swap3A_205 {add = true, strides = array<i32>} : memref<160x128xf32, #tpu.memory_space<vmem>>, vector<1x16xf32>,
          %get3A_206 = arith.index_cast %add3A_144 : i32 to index
          %get3A_207 = arith.constant 112 : index
          %get3A_208 = tpu.vector_load %arg8[%get3A_206, %get3A_207] {strides = array<i32>} : memref<160x128xf32, #tpu.memory_space<vmem>>, vector<1x16xf32>,
          %get3A_209 = vector.shape_cast %get3A_208 : vector<1x16xf32> to vector<16xf32>
          %swap3A_210 = arith.index_cast %add3A_144 : i32 to index
          %swap3A_211 = arith.constant 112 : index
          %swap3A_212 = tpu.vector_load %arg11[%swap3A_210, %swap3A_211] {strides = array<i32>} : memref<160x128xf32, #tpu.memory_space<vmem>>, vector<1x16xf32>,
          %swap3A_213 = vector.shape_cast %swap3A_212 : vector<1x16xf32> to vector<16xf32>
          %swap3A_214 = vector.shape_cast %get3A_209 : vector<16xf32> to vector<1x16xf32>
          tpu.vector_store %arg11[%swap3A_210, %swap3A_211], %swap3A_214 {add = true, strides = array<i32>} : memref<160x128xf32, #tpu.memory_space<vmem>>, vector<1x16xf32>,
          %mul3A_215 = arith.constant 2 : i32
          %mul3A_216 = arith.muli %mul3A_215, %scan3A_140 : i32
          %add3A_217 = arith.constant 1 : i32
          %add3A_218 = arith.addi %mul3A_216, %add3A_217 : i32
          %get3A_219 = arith.index_cast %add3A_218 : i32 to index
          %get3A_220 = arith.constant 0 : index
          %get3A_221 = tpu.vector_load %arg8[%get3A_219, %get3A_220] {strides = array<i32>} : memref<160x128xf32, #tpu.memory_space<vmem>>, vector<1x16xf32>,
          %get3A_222 = vector.shape_cast %get3A_221 : vector<1x16xf32> to vector<16xf32>
          %swap3A_223 = arith.index_cast %add3A_218 : i32 to index
          %swap3A_224 = arith.constant 0 : index
          %swap3A_225 = tpu.vector_load %arg11[%swap3A_223, %swap3A_224] {strides = array<i32>} : memref<160x128xf32, #tpu.memory_space<vmem>>, vector<1x16xf32>,
          %swap3A_226 = vector.shape_cast %swap3A_225 : vector<1x16xf32> to vector<16xf32>
          %swap3A_227 = vector.shape_cast %get3A_222 : vector<16xf32> to vector<1x16xf32>
          tpu.vector_store %arg11[%swap3A_223, %swap3A_224], %swap3A_227 {add = true, strides = array<i32>} : memref<160x128xf32, #tpu.memory_space<vmem>>, vector<1x16xf32>,
          %get3A_228 = arith.index_cast %add3A_218 : i32 to index
          %get3A_229 = arith.constant 16 : index
          %get3A_230 = tpu.vector_load %arg8[%get3A_228, %get3A_229] {strides = array<i32>} : memref<160x128xf32, #tpu.memory_space<vmem>>, vector<1x16xf32>,
          %get3A_231 = vector.shape_cast %get3A_230 : vector<1x16xf32> to vector<16xf32>
          %swap3A_232 = arith.index_cast %add3A_218 : i32 to index
          %swap3A_233 = arith.constant 16 : index
          %swap3A_234 = tpu.vector_load %arg11[%swap3A_232, %swap3A_233] {strides = array<i32>} : memref<160x128xf32, #tpu.memory_space<vmem>>, vector<1x16xf32>,
          %swap3A_235 = vector.shape_cast %swap3A_234 : vector<1x16xf32> to vector<16xf32>
          %swap3A_236 = vector.shape_cast %get3A_231 : vector<16xf32> to vector<1x16xf32>
          tpu.vector_store %arg11[%swap3A_232, %swap3A_233], %swap3A_236 {add = true, strides = array<i32>} : memref<160x128xf32, #tpu.memory_space<vmem>>, vector<1x16xf32>,
          %get3A_237 = arith.index_cast %add3A_218 : i32 to index
          %get3A_238 = arith.constant 32 : index
          %get3A_239 = tpu.vector_load %arg8[%get3A_237, %get3A_238] {strides = array<i32>} : memref<160x128xf32, #tpu.memory_space<vmem>>, vector<1x16xf32>,
          %get3A_240 = vector.shape_cast %get3A_239 : vector<1x16xf32> to vector<16xf32>
          %swap3A_241 = arith.index_cast %add3A_218 : i32 to index
          %swap3A_242 = arith.constant 32 : index
          %swap3A_243 = tpu.vector_load %arg11[%swap3A_241, %swap3A_242] {strides = array<i32>} : memref<160x128xf32, #tpu.memory_space<vmem>>, vector<1x16xf32>,
          %swap3A_244 = vector.shape_cast %swap3A_243 : vector<1x16xf32> to vector<16xf32>
          %swap3A_245 = vector.shape_cast %get3A_240 : vector<16xf32> to vector<1x16xf32>
          tpu.vector_store %arg11[%swap3A_241, %swap3A_242], %swap3A_245 {add = true, strides = array<i32>} : memref<160x128xf32, #tpu.memory_space<vmem>>, vector<1x16xf32>,
          %get3A_246 = arith.index_cast %add3A_218 : i32 to index
          %get3A_247 = arith.constant 48 : index
          %get3A_248 = tpu.vector_load %arg8[%get3A_246, %get3A_247] {strides = array<i32>} : memref<160x128xf32, #tpu.memory_space<vmem>>, vector<1x16xf32>,
          %get3A_249 = vector.shape_cast %get3A_248 : vector<1x16xf32> to vector<16xf32>
          %swap3A_250 = arith.index_cast %add3A_218 : i32 to index
          %swap3A_251 = arith.constant 48 : index
          %swap3A_252 = tpu.vector_load %arg11[%swap3A_250, %swap3A_251] {strides = array<i32>} : memref<160x128xf32, #tpu.memory_space<vmem>>, vector<1x16xf32>,
          %swap3A_253 = vector.shape_cast %swap3A_252 : vector<1x16xf32> to vector<16xf32>
          %swap3A_254 = vector.shape_cast %get3A_249 : vector<16xf32> to vector<1x16xf32>
          tpu.vector_store %arg11[%swap3A_250, %swap3A_251], %swap3A_254 {add = true, strides = array<i32>} : memref<160x128xf32, #tpu.memory_space<vmem>>, vector<1x16xf32>,
          %get3A_255 = arith.index_cast %add3A_218 : i32 to index
          %get3A_256 = arith.constant 64 : index
          %get3A_257 = tpu.vector_load %arg8[%get3A_255, %get3A_256] {strides = array<i32>} : memref<160x128xf32, #tpu.memory_space<vmem>>, vector<1x16xf32>,
          %get3A_258 = vector.shape_cast %get3A_257 : vector<1x16xf32> to vector<16xf32>
          %swap3A_259 = arith.index_cast %add3A_218 : i32 to index
          %swap3A_260 = arith.constant 64 : index
          %swap3A_261 = tpu.vector_load %arg11[%swap3A_259, %swap3A_260] {strides = array<i32>} : memref<160x128xf32, #tpu.memory_space<vmem>>, vector<1x16xf32>,
          %swap3A_262 = vector.shape_cast %swap3A_261 : vector<1x16xf32> to vector<16xf32>
          %swap3A_263 = vector.shape_cast %get3A_258 : vector<16xf32> to vector<1x16xf32>
          tpu.vector_store %arg11[%swap3A_259, %swap3A_260], %swap3A_263 {add = true, strides = array<i32>} : memref<160x128xf32, #tpu.memory_space<vmem>>, vector<1x16xf32>,
          %get3A_264 = arith.index_cast %add3A_218 : i32 to index
          %get3A_265 = arith.constant 80 : index
          %get3A_266 = tpu.vector_load %arg8[%get3A_264, %get3A_265] {strides = array<i32>} : memref<160x128xf32, #tpu.memory_space<vmem>>, vector<1x16xf32>,
          %get3A_267 = vector.shape_cast %get3A_266 : vector<1x16xf32> to vector<16xf32>
          %swap3A_268 = arith.index_cast %add3A_218 : i32 to index
          %swap3A_269 = arith.constant 80 : index
          %swap3A_270 = tpu.vector_load %arg11[%swap3A_268, %swap3A_269] {strides = array<i32>} : memref<160x128xf32, #tpu.memory_space<vmem>>, vector<1x16xf32>,
          %swap3A_271 = vector.shape_cast %swap3A_270 : vector<1x16xf32> to vector<16xf32>
          %swap3A_272 = vector.shape_cast %get3A_267 : vector<16xf32> to vector<1x16xf32>
          tpu.vector_store %arg11[%swap3A_268, %swap3A_269], %swap3A_272 {add = true, strides = array<i32>} : memref<160x128xf32, #tpu.memory_space<vmem>>, vector<1x16xf32>,
          %get3A_273 = arith.index_cast %add3A_218 : i32 to index
          %get3A_274 = arith.constant 96 : index
          %get3A_275 = tpu.vector_load %arg8[%get3A_273, %get3A_274] {strides = array<i32>} : memref<160x128xf32, #tpu.memory_space<vmem>>, vector<1x16xf32>,
          %get3A_276 = vector.shape_cast %get3A_275 : vector<1x16xf32> to vector<16xf32>
          %swap3A_277 = arith.index_cast %add3A_218 : i32 to index
          %swap3A_278 = arith.constant 96 : index
          %swap3A_279 = tpu.vector_load %arg11[%swap3A_277, %swap3A_278] {strides = array<i32>} : memref<160x128xf32, #tpu.memory_space<vmem>>, vector<1x16xf32>,
          %swap3A_280 = vector.shape_cast %swap3A_279 : vector<1x16xf32> to vector<16xf32>
          %swap3A_281 = vector.shape_cast %get3A_276 : vector<16xf32> to vector<1x16xf32>
          tpu.vector_store %arg11[%swap3A_277, %swap3A_278], %swap3A_281 {add = true, strides = array<i32>} : memref<160x128xf32, #tpu.memory_space<vmem>>, vector<1x16xf32>,
          %get3A_282 = arith.index_cast %add3A_218 : i32 to index
          %get3A_283 = arith.constant 112 : index
          %get3A_284 = tpu.vector_load %arg8[%get3A_282, %get3A_283] {strides = array<i32>} : memref<160x128xf32, #tpu.memory_space<vmem>>, vector<1x16xf32>,
          %get3A_285 = vector.shape_cast %get3A_284 : vector<1x16xf32> to vector<16xf32>
          %swap3A_286 = arith.index_cast %add3A_218 : i32 to index
          %swap3A_287 = arith.constant 112 : index
          %swap3A_288 = tpu.vector_load %arg11[%swap3A_286, %swap3A_287] {strides = array<i32>} : memref<160x128xf32, #tpu.memory_space<vmem>>, vector<1x16xf32>,
          %swap3A_289 = vector.shape_cast %swap3A_288 : vector<1x16xf32> to vector<16xf32>
          %swap3A_290 = vector.shape_cast %get3A_285 : vector<16xf32> to vector<1x16xf32>
          tpu.vector_store %arg11[%swap3A_286, %swap3A_287], %swap3A_290 {add = true, strides = array<i32>} : memref<160x128xf32, #tpu.memory_space<vmem>>, vector<1x16xf32>,
        }
        %scan3A_136 = arith.constant 80 : i32
        %dma_start3A = arith.constant 0 : i32
        %dma_start3A_137 = tpu.memref_slice %arg5[%mul3A_106, %dma_start3A] : memref<100000x128xf32, #tpu.memory_space<hbm>> -> memref<160x128xf32, #tpu.memory_space<hbm>>
        %dma_start3A_138 = arith.constant 0 : i32
        %dma_start3A_139 = tpu.memref_slice %arg5[%mul3A_106, %dma_start3A_138] : memref<100000x128xf32, #tpu.memory_space<hbm>> -> memref<160x128xf32, #tpu.memory_space<hbm>>
        tpu.enqueue_dma source(%arg11 : memref<160x128xf32, #tpu.memory_space<vmem>>) target(%dma_start3A_139 : memref<160x128xf32, #tpu.memory_space<hbm>>) target_semaphore(%arg20 : memref<!tpu.dma_semaphore, #tpu.memory_space<semaphore_mem>>)
      } else {
      }
      %add3A_68 = arith.constant 1 : i32
      %add3A_69 = arith.addi %mul3A_51, %add3A_68 : i32
      %add3A_70 = arith.constant 2 : i32
      %add3A_71 = arith.addi %add3A_69, %add3A_70 : i32
      %ge3A_72 = arith.constant 1 : i32
      %ge3A_73 = arith.cmpi sge, %scan3A_49, %ge3A_72 : i32
      %or3A_74 = arith.constant true
      %or3A_75 = arith.ori %ge3A_73, %or3A_74 : i1
      %lt3A_76 = arith.cmpi slt, %add3A_71, %add3A_6 : i32
      %convert_element_type3A_77 = arith.extui %lt3A_76 : i1 to i32
      %cond3A_78 = arith.constant 0 : i32
      %cond3A_79 = arith.cmpi ne, %convert_element_type3A_77, %cond3A_78 : i32
      scf.if %cond3A_79 {
        %add3A_104 = arith.addi %add3A_10, %add3A_71 : i32
        %mul3A_105 = arith.constant 160 : i32
        %mul3A_106 = arith.muli %add3A_104, %mul3A_105 : i32
        %convert_element_type3A_107 = arith.extui %or3A_75 : i1 to i32
        %cond3A_108 = arith.constant 0 : i32
        %cond3A_109 = arith.cmpi ne, %convert_element_type3A_107, %cond3A_108 : i32
        scf.if %cond3A_109 {
          %dma_wait3A_133 = arith.constant 0 : i32
          %dma_wait3A_134 = arith.constant 0 : i32
          %dma_wait3A_135 = tpu.memref_slice %arg5[%dma_wait3A_133, %dma_wait3A_134] : memref<100000x128xf32, #tpu.memory_space<hbm>> -> memref<160x128xf32, #tpu.memory_space<hbm>>
          %dma_wait3A_136 = arith.constant 0 : i32
          %dma_wait3A_137 = arith.constant 0 : i32
          %dma_wait3A_138 = tpu.memref_slice %arg5[%dma_wait3A_136, %dma_wait3A_137] : memref<100000x128xf32, #tpu.memory_space<hbm>> -> memref<160x128xf32, #tpu.memory_space<hbm>>
          tpu.wait_dma2 semaphore(%arg20 : memref<!tpu.dma_semaphore, #tpu.memory_space<semaphore_mem>>) src(%arg11 : memref<160x128xf32, #tpu.memory_space<vmem>>) dst(%dma_wait3A_138 : memref<160x128xf32, #tpu.memory_space<hbm>>)
        } else {
        }
        %mul3A_110 = arith.constant 160 : i32
        %mul3A_111 = arith.muli %add3A_71, %mul3A_110 : i32
        %dma_start3A = arith.constant 0 : i32
        %dma_start3A_112 = arith.constant 0 : i32
        %dma_start3A_113 = tpu.memref_slice %arg11[%dma_start3A, %dma_start3A_112] : memref<160x128xf32, #tpu.memory_space<vmem>> -> memref<80x128xf32, #tpu.memory_space<vmem>>
        %dma_start3A_114 = tpu.memref_slice %arg7[%mul3A_111] : memref<3360xi32, #tpu.memory_space<vmem>> -> memref<80xi32, #tpu.memory_space<vmem>>
        %dma_start3A_115 = arith.constant 0 : i32
        %dma_start3A_116 = arith.constant 0 : i32
        %dma_start3A_117 = tpu.memref_slice %arg6[%dma_start3A_115, %dma_start3A_116] : memref<512x128xf32, #tpu.memory_space<vmem_shared>> -> memref<512x128xf32, #tpu.memory_space<vmem_shared>>
        tpu.enqueue_indirect_dma source(%dma_start3A_117 : memref<512x128xf32, #tpu.memory_space<vmem_shared>>) target(%dma_start3A_113 : memref<80x128xf32, #tpu.memory_space<vmem>>) offsets(%dma_start3A_114 : memref<80xi32, #tpu.memory_space<vmem>>) semaphore(%arg14 : memref<!tpu.dma_semaphore, #tpu.memory_space<semaphore_mem>>)
        %mul3A_118 = arith.constant 160 : i32
        %mul3A_119 = arith.muli %add3A_71, %mul3A_118 : i32
        %add3A_120 = arith.constant 80 : i32
        %add3A_121 = arith.addi %mul3A_119, %add3A_120 : i32
        %dma_start3A_122 = arith.constant 80 : i32
        %dma_start3A_123 = arith.constant 0 : i32
        %dma_start3A_124 = tpu.memref_slice %arg11[%dma_start3A_122, %dma_start3A_123] : memref<160x128xf32, #tpu.memory_space<vmem>> -> memref<80x128xf32, #tpu.memory_space<vmem>>
        %dma_start3A_125 = tpu.memref_slice %arg7[%add3A_121] : memref<3360xi32, #tpu.memory_space<vmem>> -> memref<80xi32, #tpu.memory_space<vmem>>
        %dma_start3A_126 = arith.constant 0 : i32
        %dma_start3A_127 = arith.constant 0 : i32
        %dma_start3A_128 = tpu.memref_slice %arg6[%dma_start3A_126, %dma_start3A_127] : memref<512x128xf32, #tpu.memory_space<vmem_shared>> -> memref<512x128xf32, #tpu.memory_space<vmem_shared>>
        tpu.enqueue_indirect_dma source(%dma_start3A_128 : memref<512x128xf32, #tpu.memory_space<vmem_shared>>) target(%dma_start3A_124 : memref<80x128xf32, #tpu.memory_space<vmem>>) offsets(%dma_start3A_125 : memref<80xi32, #tpu.memory_space<vmem>>) semaphore(%arg14 : memref<!tpu.dma_semaphore, #tpu.memory_space<semaphore_mem>>)
        %dma_start3A_129 = arith.constant 0 : i32
        %dma_start3A_130 = tpu.memref_slice %arg2[%mul3A_106, %dma_start3A_129] : memref<100000x128xf32, #tpu.memory_space<hbm>> -> memref<160x128xf32, #tpu.memory_space<hbm>>
        %dma_start3A_131 = arith.constant 0 : i32
        %dma_start3A_132 = tpu.memref_slice %arg2[%mul3A_106, %dma_start3A_131] : memref<100000x128xf32, #tpu.memory_space<hbm>> -> memref<160x128xf32, #tpu.memory_space<hbm>>
        tpu.enqueue_dma source(%dma_start3A_132 : memref<160x128xf32, #tpu.memory_space<hbm>>) target(%arg8 : memref<160x128xf32, #tpu.memory_space<vmem>>) target_semaphore(%arg17 : memref<!tpu.dma_semaphore, #tpu.memory_space<semaphore_mem>>)
      } else {
      }
      %add3A_80 = arith.constant 1 : i32
      %add3A_81 = arith.addi %mul3A_51, %add3A_80 : i32
      %lt3A_82 = arith.cmpi slt, %add3A_81, %add3A_6 : i32
      %convert_element_type3A_83 = arith.extui %lt3A_82 : i1 to i32
      %cond3A_84 = arith.constant 0 : i32
      %cond3A_85 = arith.cmpi ne, %convert_element_type3A_83, %cond3A_84 : i32
      scf.if %cond3A_85 {
        %add3A_104 = arith.addi %add3A_10, %add3A_81 : i32
        %mul3A_105 = arith.constant 160 : i32
        %mul3A_106 = arith.muli %add3A_104, %mul3A_105 : i32
        %mul3A_107 = arith.constant 160 : i32
        %mul3A_108 = arith.muli %add3A_81, %mul3A_107 : i32
        %dma_wait3A_109 = arith.constant 0 : i32
        %dma_wait3A_110 = arith.constant 0 : i32
        %dma_wait3A_111 = tpu.memref_slice %arg12[%dma_wait3A_109, %dma_wait3A_110] : memref<160x128xf32, #tpu.memory_space<vmem>> -> memref<80x128xf32, #tpu.memory_space<vmem>>
        %dma_wait3A_112 = tpu.memref_slice %arg7[%mul3A_108] : memref<3360xi32, #tpu.memory_space<vmem>> -> memref<80xi32, #tpu.memory_space<vmem>>
        %dma_wait3A_113 = arith.constant 0 : i32
        %dma_wait3A_114 = arith.constant 0 : i32
        %dma_wait3A_115 = tpu.memref_slice %arg6[%dma_wait3A_113, %dma_wait3A_114] : memref<512x128xf32, #tpu.memory_space<vmem_shared>> -> memref<512x128xf32, #tpu.memory_space<vmem_shared>>
        tpu.wait_indirect_dma semaphore(%arg15 : memref<!tpu.dma_semaphore, #tpu.memory_space<semaphore_mem>>) src(%dma_wait3A_115 : memref<512x128xf32, #tpu.memory_space<vmem_shared>>) dst(%dma_wait3A_111 : memref<80x128xf32, #tpu.memory_space<vmem>>)
        %mul3A_116 = arith.constant 160 : i32
        %mul3A_117 = arith.muli %add3A_81, %mul3A_116 : i32
        %add3A_118 = arith.constant 80 : i32
        %add3A_119 = arith.addi %mul3A_117, %add3A_118 : i32
        %dma_wait3A_120 = arith.constant 80 : i32
        %dma_wait3A_121 = arith.constant 0 : i32
        %dma_wait3A_122 = tpu.memref_slice %arg12[%dma_wait3A_120, %dma_wait3A_121] : memref<160x128xf32, #tpu.memory_space<vmem>> -> memref<80x128xf32, #tpu.memory_space<vmem>>
        %dma_wait3A_123 = tpu.memref_slice %arg7[%add3A_119] : memref<3360xi32, #tpu.memory_space<vmem>> -> memref<80xi32, #tpu.memory_space<vmem>>
        %dma_wait3A_124 = arith.constant 0 : i32
        %dma_wait3A_125 = arith.constant 0 : i32
        %dma_wait3A_126 = tpu.memref_slice %arg6[%dma_wait3A_124, %dma_wait3A_125] : memref<512x128xf32, #tpu.memory_space<vmem_shared>> -> memref<512x128xf32, #tpu.memory_space<vmem_shared>>
        tpu.wait_indirect_dma semaphore(%arg15 : memref<!tpu.dma_semaphore, #tpu.memory_space<semaphore_mem>>) src(%dma_wait3A_126 : memref<512x128xf32, #tpu.memory_space<vmem_shared>>) dst(%dma_wait3A_122 : memref<80x128xf32, #tpu.memory_space<vmem>>)
        %dma_wait3A_127 = arith.constant 0 : i32
        %dma_wait3A_128 = tpu.memref_slice %arg2[%mul3A_106, %dma_wait3A_127] : memref<100000x128xf32, #tpu.memory_space<hbm>> -> memref<160x128xf32, #tpu.memory_space<hbm>>
        %dma_wait3A_129 = arith.constant 0 : i32
        %dma_wait3A_130 = tpu.memref_slice %arg2[%mul3A_106, %dma_wait3A_129] : memref<100000x128xf32, #tpu.memory_space<hbm>> -> memref<160x128xf32, #tpu.memory_space<hbm>>
        tpu.wait_dma2 semaphore(%arg18 : memref<!tpu.dma_semaphore, #tpu.memory_space<semaphore_mem>>) src(%dma_wait3A_130 : memref<160x128xf32, #tpu.memory_space<hbm>>) dst(%arg9 : memref<160x128xf32, #tpu.memory_space<vmem>>)
        %scan3A_131 = arith.constant 0 : i32
        %scan3A_132 = arith.constant 0 : i32
        %scan3A_133 = arith.constant 80 : i32
        %scan3A_134 = arith.addi %scan3A_132, %scan3A_133 : i32
        %scan3A_135 = arith.constant 1 : i32
        scf.for %scan3A_140 = %scan3A_132 to %scan3A_134 step %scan3A_135  : i32 {
          %mul3A_141 = arith.constant 2 : i32
          %mul3A_142 = arith.muli %mul3A_141, %scan3A_140 : i32
          %add3A_143 = arith.constant 0 : i32
          %add3A_144 = arith.addi %mul3A_142, %add3A_143 : i32
          %get3A = arith.index_cast %add3A_144 : i32 to index
          %get3A_145 = arith.constant 0 : index
          %get3A_146 = tpu.vector_load %arg9[%get3A, %get3A_145] {strides = array<i32>} : memref<160x128xf32, #tpu.memory_space<vmem>>, vector<1x16xf32>,
          %get3A_147 = vector.shape_cast %get3A_146 : vector<1x16xf32> to vector<16xf32>
          %swap3A = arith.index_cast %add3A_144 : i32 to index
          %swap3A_148 = arith.constant 0 : index
          %swap3A_149 = tpu.vector_load %arg12[%swap3A, %swap3A_148] {strides = array<i32>} : memref<160x128xf32, #tpu.memory_space<vmem>>, vector<1x16xf32>,
          %swap3A_150 = vector.shape_cast %swap3A_149 : vector<1x16xf32> to vector<16xf32>
          %swap3A_151 = vector.shape_cast %get3A_147 : vector<16xf32> to vector<1x16xf32>
          tpu.vector_store %arg12[%swap3A, %swap3A_148], %swap3A_151 {add = true, strides = array<i32>} : memref<160x128xf32, #tpu.memory_space<vmem>>, vector<1x16xf32>,
          %get3A_152 = arith.index_cast %add3A_144 : i32 to index
          %get3A_153 = arith.constant 16 : index
          %get3A_154 = tpu.vector_load %arg9[%get3A_152, %get3A_153] {strides = array<i32>} : memref<160x128xf32, #tpu.memory_space<vmem>>, vector<1x16xf32>,
          %get3A_155 = vector.shape_cast %get3A_154 : vector<1x16xf32> to vector<16xf32>
          %swap3A_156 = arith.index_cast %add3A_144 : i32 to index
          %swap3A_157 = arith.constant 16 : index
          %swap3A_158 = tpu.vector_load %arg12[%swap3A_156, %swap3A_157] {strides = array<i32>} : memref<160x128xf32, #tpu.memory_space<vmem>>, vector<1x16xf32>,
          %swap3A_159 = vector.shape_cast %swap3A_158 : vector<1x16xf32> to vector<16xf32>
          %swap3A_160 = vector.shape_cast %get3A_155 : vector<16xf32> to vector<1x16xf32>
          tpu.vector_store %arg12[%swap3A_156, %swap3A_157], %swap3A_160 {add = true, strides = array<i32>} : memref<160x128xf32, #tpu.memory_space<vmem>>, vector<1x16xf32>,
          %get3A_161 = arith.index_cast %add3A_144 : i32 to index
          %get3A_162 = arith.constant 32 : index
          %get3A_163 = tpu.vector_load %arg9[%get3A_161, %get3A_162] {strides = array<i32>} : memref<160x128xf32, #tpu.memory_space<vmem>>, vector<1x16xf32>,
          %get3A_164 = vector.shape_cast %get3A_163 : vector<1x16xf32> to vector<16xf32>
          %swap3A_165 = arith.index_cast %add3A_144 : i32 to index
          %swap3A_166 = arith.constant 32 : index
          %swap3A_167 = tpu.vector_load %arg12[%swap3A_165, %swap3A_166] {strides = array<i32>} : memref<160x128xf32, #tpu.memory_space<vmem>>, vector<1x16xf32>,
          %swap3A_168 = vector.shape_cast %swap3A_167 : vector<1x16xf32> to vector<16xf32>
          %swap3A_169 = vector.shape_cast %get3A_164 : vector<16xf32> to vector<1x16xf32>
          tpu.vector_store %arg12[%swap3A_165, %swap3A_166], %swap3A_169 {add = true, strides = array<i32>} : memref<160x128xf32, #tpu.memory_space<vmem>>, vector<1x16xf32>,
          %get3A_170 = arith.index_cast %add3A_144 : i32 to index
          %get3A_171 = arith.constant 48 : index
          %get3A_172 = tpu.vector_load %arg9[%get3A_170, %get3A_171] {strides = array<i32>} : memref<160x128xf32, #tpu.memory_space<vmem>>, vector<1x16xf32>,
          %get3A_173 = vector.shape_cast %get3A_172 : vector<1x16xf32> to vector<16xf32>
          %swap3A_174 = arith.index_cast %add3A_144 : i32 to index
          %swap3A_175 = arith.constant 48 : index
          %swap3A_176 = tpu.vector_load %arg12[%swap3A_174, %swap3A_175] {strides = array<i32>} : memref<160x128xf32, #tpu.memory_space<vmem>>, vector<1x16xf32>,
          %swap3A_177 = vector.shape_cast %swap3A_176 : vector<1x16xf32> to vector<16xf32>
          %swap3A_178 = vector.shape_cast %get3A_173 : vector<16xf32> to vector<1x16xf32>
          tpu.vector_store %arg12[%swap3A_174, %swap3A_175], %swap3A_178 {add = true, strides = array<i32>} : memref<160x128xf32, #tpu.memory_space<vmem>>, vector<1x16xf32>,
          %get3A_179 = arith.index_cast %add3A_144 : i32 to index
          %get3A_180 = arith.constant 64 : index
          %get3A_181 = tpu.vector_load %arg9[%get3A_179, %get3A_180] {strides = array<i32>} : memref<160x128xf32, #tpu.memory_space<vmem>>, vector<1x16xf32>,
          %get3A_182 = vector.shape_cast %get3A_181 : vector<1x16xf32> to vector<16xf32>
          %swap3A_183 = arith.index_cast %add3A_144 : i32 to index
          %swap3A_184 = arith.constant 64 : index
          %swap3A_185 = tpu.vector_load %arg12[%swap3A_183, %swap3A_184] {strides = array<i32>} : memref<160x128xf32, #tpu.memory_space<vmem>>, vector<1x16xf32>,
          %swap3A_186 = vector.shape_cast %swap3A_185 : vector<1x16xf32> to vector<16xf32>
          %swap3A_187 = vector.shape_cast %get3A_182 : vector<16xf32> to vector<1x16xf32>
          tpu.vector_store %arg12[%swap3A_183, %swap3A_184], %swap3A_187 {add = true, strides = array<i32>} : memref<160x128xf32, #tpu.memory_space<vmem>>, vector<1x16xf32>,
          %get3A_188 = arith.index_cast %add3A_144 : i32 to index
          %get3A_189 = arith.constant 80 : index
          %get3A_190 = tpu.vector_load %arg9[%get3A_188, %get3A_189] {strides = array<i32>} : memref<160x128xf32, #tpu.memory_space<vmem>>, vector<1x16xf32>,
          %get3A_191 = vector.shape_cast %get3A_190 : vector<1x16xf32> to vector<16xf32>
          %swap3A_192 = arith.index_cast %add3A_144 : i32 to index
          %swap3A_193 = arith.constant 80 : index
          %swap3A_194 = tpu.vector_load %arg12[%swap3A_192, %swap3A_193] {strides = array<i32>} : memref<160x128xf32, #tpu.memory_space<vmem>>, vector<1x16xf32>,
          %swap3A_195 = vector.shape_cast %swap3A_194 : vector<1x16xf32> to vector<16xf32>
          %swap3A_196 = vector.shape_cast %get3A_191 : vector<16xf32> to vector<1x16xf32>
          tpu.vector_store %arg12[%swap3A_192, %swap3A_193], %swap3A_196 {add = true, strides = array<i32>} : memref<160x128xf32, #tpu.memory_space<vmem>>, vector<1x16xf32>,
          %get3A_197 = arith.index_cast %add3A_144 : i32 to index
          %get3A_198 = arith.constant 96 : index
          %get3A_199 = tpu.vector_load %arg9[%get3A_197, %get3A_198] {strides = array<i32>} : memref<160x128xf32, #tpu.memory_space<vmem>>, vector<1x16xf32>,
          %get3A_200 = vector.shape_cast %get3A_199 : vector<1x16xf32> to vector<16xf32>
          %swap3A_201 = arith.index_cast %add3A_144 : i32 to index
          %swap3A_202 = arith.constant 96 : index
          %swap3A_203 = tpu.vector_load %arg12[%swap3A_201, %swap3A_202] {strides = array<i32>} : memref<160x128xf32, #tpu.memory_space<vmem>>, vector<1x16xf32>,
          %swap3A_204 = vector.shape_cast %swap3A_203 : vector<1x16xf32> to vector<16xf32>
          %swap3A_205 = vector.shape_cast %get3A_200 : vector<16xf32> to vector<1x16xf32>
          tpu.vector_store %arg12[%swap3A_201, %swap3A_202], %swap3A_205 {add = true, strides = array<i32>} : memref<160x128xf32, #tpu.memory_space<vmem>>, vector<1x16xf32>,
          %get3A_206 = arith.index_cast %add3A_144 : i32 to index
          %get3A_207 = arith.constant 112 : index
          %get3A_208 = tpu.vector_load %arg9[%get3A_206, %get3A_207] {strides = array<i32>} : memref<160x128xf32, #tpu.memory_space<vmem>>, vector<1x16xf32>,
          %get3A_209 = vector.shape_cast %get3A_208 : vector<1x16xf32> to vector<16xf32>
          %swap3A_210 = arith.index_cast %add3A_144 : i32 to index
          %swap3A_211 = arith.constant 112 : index
          %swap3A_212 = tpu.vector_load %arg12[%swap3A_210, %swap3A_211] {strides = array<i32>} : memref<160x128xf32, #tpu.memory_space<vmem>>, vector<1x16xf32>,
          %swap3A_213 = vector.shape_cast %swap3A_212 : vector<1x16xf32> to vector<16xf32>
          %swap3A_214 = vector.shape_cast %get3A_209 : vector<16xf32> to vector<1x16xf32>
          tpu.vector_store %arg12[%swap3A_210, %swap3A_211], %swap3A_214 {add = true, strides = array<i32>} : memref<160x128xf32, #tpu.memory_space<vmem>>, vector<1x16xf32>,
          %mul3A_215 = arith.constant 2 : i32
          %mul3A_216 = arith.muli %mul3A_215, %scan3A_140 : i32
          %add3A_217 = arith.constant 1 : i32
          %add3A_218 = arith.addi %mul3A_216, %add3A_217 : i32
          %get3A_219 = arith.index_cast %add3A_218 : i32 to index
          %get3A_220 = arith.constant 0 : index
          %get3A_221 = tpu.vector_load %arg9[%get3A_219, %get3A_220] {strides = array<i32>} : memref<160x128xf32, #tpu.memory_space<vmem>>, vector<1x16xf32>,
          %get3A_222 = vector.shape_cast %get3A_221 : vector<1x16xf32> to vector<16xf32>
          %swap3A_223 = arith.index_cast %add3A_218 : i32 to index
          %swap3A_224 = arith.constant 0 : index
          %swap3A_225 = tpu.vector_load %arg12[%swap3A_223, %swap3A_224] {strides = array<i32>} : memref<160x128xf32, #tpu.memory_space<vmem>>, vector<1x16xf32>,
          %swap3A_226 = vector.shape_cast %swap3A_225 : vector<1x16xf32> to vector<16xf32>
          %swap3A_227 = vector.shape_cast %get3A_222 : vector<16xf32> to vector<1x16xf32>
          tpu.vector_store %arg12[%swap3A_223, %swap3A_224], %swap3A_227 {add = true, strides = array<i32>} : memref<160x128xf32, #tpu.memory_space<vmem>>, vector<1x16xf32>,
          %get3A_228 = arith.index_cast %add3A_218 : i32 to index
          %get3A_229 = arith.constant 16 : index
          %get3A_230 = tpu.vector_load %arg9[%get3A_228, %get3A_229] {strides = array<i32>} : memref<160x128xf32, #tpu.memory_space<vmem>>, vector<1x16xf32>,
          %get3A_231 = vector.shape_cast %get3A_230 : vector<1x16xf32> to vector<16xf32>
          %swap3A_232 = arith.index_cast %add3A_218 : i32 to index
          %swap3A_233 = arith.constant 16 : index
          %swap3A_234 = tpu.vector_load %arg12[%swap3A_232, %swap3A_233] {strides = array<i32>} : memref<160x128xf32, #tpu.memory_space<vmem>>, vector<1x16xf32>,
          %swap3A_235 = vector.shape_cast %swap3A_234 : vector<1x16xf32> to vector<16xf32>
          %swap3A_236 = vector.shape_cast %get3A_231 : vector<16xf32> to vector<1x16xf32>
          tpu.vector_store %arg12[%swap3A_232, %swap3A_233], %swap3A_236 {add = true, strides = array<i32>} : memref<160x128xf32, #tpu.memory_space<vmem>>, vector<1x16xf32>,
          %get3A_237 = arith.index_cast %add3A_218 : i32 to index
          %get3A_238 = arith.constant 32 : index
          %get3A_239 = tpu.vector_load %arg9[%get3A_237, %get3A_238] {strides = array<i32>} : memref<160x128xf32, #tpu.memory_space<vmem>>, vector<1x16xf32>,
          %get3A_240 = vector.shape_cast %get3A_239 : vector<1x16xf32> to vector<16xf32>
          %swap3A_241 = arith.index_cast %add3A_218 : i32 to index
          %swap3A_242 = arith.constant 32 : index
          %swap3A_243 = tpu.vector_load %arg12[%swap3A_241, %swap3A_242] {strides = array<i32>} : memref<160x128xf32, #tpu.memory_space<vmem>>, vector<1x16xf32>,
          %swap3A_244 = vector.shape_cast %swap3A_243 : vector<1x16xf32> to vector<16xf32>
          %swap3A_245 = vector.shape_cast %get3A_240 : vector<16xf32> to vector<1x16xf32>
          tpu.vector_store %arg12[%swap3A_241, %swap3A_242], %swap3A_245 {add = true, strides = array<i32>} : memref<160x128xf32, #tpu.memory_space<vmem>>, vector<1x16xf32>,
          %get3A_246 = arith.index_cast %add3A_218 : i32 to index
          %get3A_247 = arith.constant 48 : index
          %get3A_248 = tpu.vector_load %arg9[%get3A_246, %get3A_247] {strides = array<i32>} : memref<160x128xf32, #tpu.memory_space<vmem>>, vector<1x16xf32>,
          %get3A_249 = vector.shape_cast %get3A_248 : vector<1x16xf32> to vector<16xf32>
          %swap3A_250 = arith.index_cast %add3A_218 : i32 to index
          %swap3A_251 = arith.constant 48 : index
          %swap3A_252 = tpu.vector_load %arg12[%swap3A_250, %swap3A_251] {strides = array<i32>} : memref<160x128xf32, #tpu.memory_space<vmem>>, vector<1x16xf32>,
          %swap3A_253 = vector.shape_cast %swap3A_252 : vector<1x16xf32> to vector<16xf32>
          %swap3A_254 = vector.shape_cast %get3A_249 : vector<16xf32> to vector<1x16xf32>
          tpu.vector_store %arg12[%swap3A_250, %swap3A_251], %swap3A_254 {add = true, strides = array<i32>} : memref<160x128xf32, #tpu.memory_space<vmem>>, vector<1x16xf32>,
          %get3A_255 = arith.index_cast %add3A_218 : i32 to index
          %get3A_256 = arith.constant 64 : index
          %get3A_257 = tpu.vector_load %arg9[%get3A_255, %get3A_256] {strides = array<i32>} : memref<160x128xf32, #tpu.memory_space<vmem>>, vector<1x16xf32>,
          %get3A_258 = vector.shape_cast %get3A_257 : vector<1x16xf32> to vector<16xf32>
          %swap3A_259 = arith.index_cast %add3A_218 : i32 to index
          %swap3A_260 = arith.constant 64 : index
          %swap3A_261 = tpu.vector_load %arg12[%swap3A_259, %swap3A_260] {strides = array<i32>} : memref<160x128xf32, #tpu.memory_space<vmem>>, vector<1x16xf32>,
          %swap3A_262 = vector.shape_cast %swap3A_261 : vector<1x16xf32> to vector<16xf32>
          %swap3A_263 = vector.shape_cast %get3A_258 : vector<16xf32> to vector<1x16xf32>
          tpu.vector_store %arg12[%swap3A_259, %swap3A_260], %swap3A_263 {add = true, strides = array<i32>} : memref<160x128xf32, #tpu.memory_space<vmem>>, vector<1x16xf32>,
          %get3A_264 = arith.index_cast %add3A_218 : i32 to index
          %get3A_265 = arith.constant 80 : index
          %get3A_266 = tpu.vector_load %arg9[%get3A_264, %get3A_265] {strides = array<i32>} : memref<160x128xf32, #tpu.memory_space<vmem>>, vector<1x16xf32>,
          %get3A_267 = vector.shape_cast %get3A_266 : vector<1x16xf32> to vector<16xf32>
          %swap3A_268 = arith.index_cast %add3A_218 : i32 to index
          %swap3A_269 = arith.constant 80 : index
          %swap3A_270 = tpu.vector_load %arg12[%swap3A_268, %swap3A_269] {strides = array<i32>} : memref<160x128xf32, #tpu.memory_space<vmem>>, vector<1x16xf32>,
          %swap3A_271 = vector.shape_cast %swap3A_270 : vector<1x16xf32> to vector<16xf32>
          %swap3A_272 = vector.shape_cast %get3A_267 : vector<16xf32> to vector<1x16xf32>
          tpu.vector_store %arg12[%swap3A_268, %swap3A_269], %swap3A_272 {add = true, strides = array<i32>} : memref<160x128xf32, #tpu.memory_space<vmem>>, vector<1x16xf32>,
          %get3A_273 = arith.index_cast %add3A_218 : i32 to index
          %get3A_274 = arith.constant 96 : index
          %get3A_275 = tpu.vector_load %arg9[%get3A_273, %get3A_274] {strides = array<i32>} : memref<160x128xf32, #tpu.memory_space<vmem>>, vector<1x16xf32>,
          %get3A_276 = vector.shape_cast %get3A_275 : vector<1x16xf32> to vector<16xf32>
          %swap3A_277 = arith.index_cast %add3A_218 : i32 to index
          %swap3A_278 = arith.constant 96 : index
          %swap3A_279 = tpu.vector_load %arg12[%swap3A_277, %swap3A_278] {strides = array<i32>} : memref<160x128xf32, #tpu.memory_space<vmem>>, vector<1x16xf32>,
          %swap3A_280 = vector.shape_cast %swap3A_279 : vector<1x16xf32> to vector<16xf32>
          %swap3A_281 = vector.shape_cast %get3A_276 : vector<16xf32> to vector<1x16xf32>
          tpu.vector_store %arg12[%swap3A_277, %swap3A_278], %swap3A_281 {add = true, strides = array<i32>} : memref<160x128xf32, #tpu.memory_space<vmem>>, vector<1x16xf32>,
          %get3A_282 = arith.index_cast %add3A_218 : i32 to index
          %get3A_283 = arith.constant 112 : index
          %get3A_284 = tpu.vector_load %arg9[%get3A_282, %get3A_283] {strides = array<i32>} : memref<160x128xf32, #tpu.memory_space<vmem>>, vector<1x16xf32>,
          %get3A_285 = vector.shape_cast %get3A_284 : vector<1x16xf32> to vector<16xf32>
          %swap3A_286 = arith.index_cast %add3A_218 : i32 to index
          %swap3A_287 = arith.constant 112 : index
          %swap3A_288 = tpu.vector_load %arg12[%swap3A_286, %swap3A_287] {strides = array<i32>} : memref<160x128xf32, #tpu.memory_space<vmem>>, vector<1x16xf32>,
          %swap3A_289 = vector.shape_cast %swap3A_288 : vector<1x16xf32> to vector<16xf32>
          %swap3A_290 = vector.shape_cast %get3A_285 : vector<16xf32> to vector<1x16xf32>
          tpu.vector_store %arg12[%swap3A_286, %swap3A_287], %swap3A_290 {add = true, strides = array<i32>} : memref<160x128xf32, #tpu.memory_space<vmem>>, vector<1x16xf32>,
        }
        %scan3A_136 = arith.constant 80 : i32
        %dma_start3A = arith.constant 0 : i32
        %dma_start3A_137 = tpu.memref_slice %arg5[%mul3A_106, %dma_start3A] : memref<100000x128xf32, #tpu.memory_space<hbm>> -> memref<160x128xf32, #tpu.memory_space<hbm>>
        %dma_start3A_138 = arith.constant 0 : i32
        %dma_start3A_139 = tpu.memref_slice %arg5[%mul3A_106, %dma_start3A_138] : memref<100000x128xf32, #tpu.memory_space<hbm>> -> memref<160x128xf32, #tpu.memory_space<hbm>>
        tpu.enqueue_dma source(%arg12 : memref<160x128xf32, #tpu.memory_space<vmem>>) target(%dma_start3A_139 : memref<160x128xf32, #tpu.memory_space<hbm>>) target_semaphore(%arg21 : memref<!tpu.dma_semaphore, #tpu.memory_space<semaphore_mem>>)
      } else {
      }
      %add3A_86 = arith.constant 2 : i32
      %add3A_87 = arith.addi %mul3A_51, %add3A_86 : i32
      %add3A_88 = arith.constant 2 : i32
      %add3A_89 = arith.addi %add3A_87, %add3A_88 : i32
      %ge3A_90 = arith.constant 1 : i32
      %ge3A_91 = arith.cmpi sge, %scan3A_49, %ge3A_90 : i32
      %or3A_92 = arith.constant true
      %or3A_93 = arith.ori %ge3A_91, %or3A_92 : i1
      %lt3A_94 = arith.cmpi slt, %add3A_89, %add3A_6 : i32
      %convert_element_type3A_95 = arith.extui %lt3A_94 : i1 to i32
      %cond3A_96 = arith.constant 0 : i32
      %cond3A_97 = arith.cmpi ne, %convert_element_type3A_95, %cond3A_96 : i32
      scf.if %cond3A_97 {
        %add3A_104 = arith.addi %add3A_10, %add3A_89 : i32
        %mul3A_105 = arith.constant 160 : i32
        %mul3A_106 = arith.muli %add3A_104, %mul3A_105 : i32
        %convert_element_type3A_107 = arith.extui %or3A_93 : i1 to i32
        %cond3A_108 = arith.constant 0 : i32
        %cond3A_109 = arith.cmpi ne, %convert_element_type3A_107, %cond3A_108 : i32
        scf.if %cond3A_109 {
          %dma_wait3A_133 = arith.constant 0 : i32
          %dma_wait3A_134 = arith.constant 0 : i32
          %dma_wait3A_135 = tpu.memref_slice %arg5[%dma_wait3A_133, %dma_wait3A_134] : memref<100000x128xf32, #tpu.memory_space<hbm>> -> memref<160x128xf32, #tpu.memory_space<hbm>>
          %dma_wait3A_136 = arith.constant 0 : i32
          %dma_wait3A_137 = arith.constant 0 : i32
          %dma_wait3A_138 = tpu.memref_slice %arg5[%dma_wait3A_136, %dma_wait3A_137] : memref<100000x128xf32, #tpu.memory_space<hbm>> -> memref<160x128xf32, #tpu.memory_space<hbm>>
          tpu.wait_dma2 semaphore(%arg21 : memref<!tpu.dma_semaphore, #tpu.memory_space<semaphore_mem>>) src(%arg12 : memref<160x128xf32, #tpu.memory_space<vmem>>) dst(%dma_wait3A_138 : memref<160x128xf32, #tpu.memory_space<hbm>>)
        } else {
        }
        %mul3A_110 = arith.constant 160 : i32
        %mul3A_111 = arith.muli %add3A_89, %mul3A_110 : i32
        %dma_start3A = arith.constant 0 : i32
        %dma_start3A_112 = arith.constant 0 : i32
        %dma_start3A_113 = tpu.memref_slice %arg12[%dma_start3A, %dma_start3A_112] : memref<160x128xf32, #tpu.memory_space<vmem>> -> memref<80x128xf32, #tpu.memory_space<vmem>>
        %dma_start3A_114 = tpu.memref_slice %arg7[%mul3A_111] : memref<3360xi32, #tpu.memory_space<vmem>> -> memref<80xi32, #tpu.memory_space<vmem>>
        %dma_start3A_115 = arith.constant 0 : i32
        %dma_start3A_116 = arith.constant 0 : i32
        %dma_start3A_117 = tpu.memref_slice %arg6[%dma_start3A_115, %dma_start3A_116] : memref<512x128xf32, #tpu.memory_space<vmem_shared>> -> memref<512x128xf32, #tpu.memory_space<vmem_shared>>
        tpu.enqueue_indirect_dma source(%dma_start3A_117 : memref<512x128xf32, #tpu.memory_space<vmem_shared>>) target(%dma_start3A_113 : memref<80x128xf32, #tpu.memory_space<vmem>>) offsets(%dma_start3A_114 : memref<80xi32, #tpu.memory_space<vmem>>) semaphore(%arg15 : memref<!tpu.dma_semaphore, #tpu.memory_space<semaphore_mem>>)
        %mul3A_118 = arith.constant 160 : i32
        %mul3A_119 = arith.muli %add3A_89, %mul3A_118 : i32
        %add3A_120 = arith.constant 80 : i32
        %add3A_121 = arith.addi %mul3A_119, %add3A_120 : i32
        %dma_start3A_122 = arith.constant 80 : i32
        %dma_start3A_123 = arith.constant 0 : i32
        %dma_start3A_124 = tpu.memref_slice %arg12[%dma_start3A_122, %dma_start3A_123] : memref<160x128xf32, #tpu.memory_space<vmem>> -> memref<80x128xf32, #tpu.memory_space<vmem>>
        %dma_start3A_125 = tpu.memref_slice %arg7[%add3A_121] : memref<3360xi32, #tpu.memory_space<vmem>> -> memref<80xi32, #tpu.memory_space<vmem>>
        %dma_start3A_126 = arith.constant 0 : i32
        %dma_start3A_127 = arith.constant 0 : i32
        %dma_start3A_128 = tpu.memref_slice %arg6[%dma_start3A_126, %dma_start3A_127] : memref<512x128xf32, #tpu.memory_space<vmem_shared>> -> memref<512x128xf32, #tpu.memory_space<vmem_shared>>
        tpu.enqueue_indirect_dma source(%dma_start3A_128 : memref<512x128xf32, #tpu.memory_space<vmem_shared>>) target(%dma_start3A_124 : memref<80x128xf32, #tpu.memory_space<vmem>>) offsets(%dma_start3A_125 : memref<80xi32, #tpu.memory_space<vmem>>) semaphore(%arg15 : memref<!tpu.dma_semaphore, #tpu.memory_space<semaphore_mem>>)
        %dma_start3A_129 = arith.constant 0 : i32
        %dma_start3A_130 = tpu.memref_slice %arg2[%mul3A_106, %dma_start3A_129] : memref<100000x128xf32, #tpu.memory_space<hbm>> -> memref<160x128xf32, #tpu.memory_space<hbm>>
        %dma_start3A_131 = arith.constant 0 : i32
        %dma_start3A_132 = tpu.memref_slice %arg2[%mul3A_106, %dma_start3A_131] : memref<100000x128xf32, #tpu.memory_space<hbm>> -> memref<160x128xf32, #tpu.memory_space<hbm>>
        tpu.enqueue_dma source(%dma_start3A_132 : memref<160x128xf32, #tpu.memory_space<hbm>>) target(%arg9 : memref<160x128xf32, #tpu.memory_space<vmem>>) target_semaphore(%arg18 : memref<!tpu.dma_semaphore, #tpu.memory_space<semaphore_mem>>)
      } else {
      }
      %add3A_98 = arith.constant 2 : i32
      %add3A_99 = arith.addi %mul3A_51, %add3A_98 : i32
      %lt3A_100 = arith.cmpi slt, %add3A_99, %add3A_6 : i32
      %convert_element_type3A_101 = arith.extui %lt3A_100 : i1 to i32
      %cond3A_102 = arith.constant 0 : i32
      %cond3A_103 = arith.cmpi ne, %convert_element_type3A_101, %cond3A_102 : i32
      scf.if %cond3A_103 {
        %add3A_104 = arith.addi %add3A_10, %add3A_99 : i32
        %mul3A_105 = arith.constant 160 : i32
        %mul3A_106 = arith.muli %add3A_104, %mul3A_105 : i32
        %mul3A_107 = arith.constant 160 : i32
        %mul3A_108 = arith.muli %add3A_99, %mul3A_107 : i32
        %dma_wait3A_109 = arith.constant 0 : i32
        %dma_wait3A_110 = arith.constant 0 : i32
        %dma_wait3A_111 = tpu.memref_slice %arg13[%dma_wait3A_109, %dma_wait3A_110] : memref<160x128xf32, #tpu.memory_space<vmem>> -> memref<80x128xf32, #tpu.memory_space<vmem>>
        %dma_wait3A_112 = tpu.memref_slice %arg7[%mul3A_108] : memref<3360xi32, #tpu.memory_space<vmem>> -> memref<80xi32, #tpu.memory_space<vmem>>
        %dma_wait3A_113 = arith.constant 0 : i32
        %dma_wait3A_114 = arith.constant 0 : i32
        %dma_wait3A_115 = tpu.memref_slice %arg6[%dma_wait3A_113, %dma_wait3A_114] : memref<512x128xf32, #tpu.memory_space<vmem_shared>> -> memref<512x128xf32, #tpu.memory_space<vmem_shared>>
        tpu.wait_indirect_dma semaphore(%arg16 : memref<!tpu.dma_semaphore, #tpu.memory_space<semaphore_mem>>) src(%dma_wait3A_115 : memref<512x128xf32, #tpu.memory_space<vmem_shared>>) dst(%dma_wait3A_111 : memref<80x128xf32, #tpu.memory_space<vmem>>)
        %mul3A_116 = arith.constant 160 : i32
        %mul3A_117 = arith.muli %add3A_99, %mul3A_116 : i32
        %add3A_118 = arith.constant 80 : i32
        %add3A_119 = arith.addi %mul3A_117, %add3A_118 : i32
        %dma_wait3A_120 = arith.constant 80 : i32
        %dma_wait3A_121 = arith.constant 0 : i32
        %dma_wait3A_122 = tpu.memref_slice %arg13[%dma_wait3A_120, %dma_wait3A_121] : memref<160x128xf32, #tpu.memory_space<vmem>> -> memref<80x128xf32, #tpu.memory_space<vmem>>
        %dma_wait3A_123 = tpu.memref_slice %arg7[%add3A_119] : memref<3360xi32, #tpu.memory_space<vmem>> -> memref<80xi32, #tpu.memory_space<vmem>>
        %dma_wait3A_124 = arith.constant 0 : i32
        %dma_wait3A_125 = arith.constant 0 : i32
        %dma_wait3A_126 = tpu.memref_slice %arg6[%dma_wait3A_124, %dma_wait3A_125] : memref<512x128xf32, #tpu.memory_space<vmem_shared>> -> memref<512x128xf32, #tpu.memory_space<vmem_shared>>
        tpu.wait_indirect_dma semaphore(%arg16 : memref<!tpu.dma_semaphore, #tpu.memory_space<semaphore_mem>>) src(%dma_wait3A_126 : memref<512x128xf32, #tpu.memory_space<vmem_shared>>) dst(%dma_wait3A_122 : memref<80x128xf32, #tpu.memory_space<vmem>>)
        %dma_wait3A_127 = arith.constant 0 : i32
        %dma_wait3A_128 = tpu.memref_slice %arg2[%mul3A_106, %dma_wait3A_127] : memref<100000x128xf32, #tpu.memory_space<hbm>> -> memref<160x128xf32, #tpu.memory_space<hbm>>
        %dma_wait3A_129 = arith.constant 0 : i32
        %dma_wait3A_130 = tpu.memref_slice %arg2[%mul3A_106, %dma_wait3A_129] : memref<100000x128xf32, #tpu.memory_space<hbm>> -> memref<160x128xf32, #tpu.memory_space<hbm>>
        tpu.wait_dma2 semaphore(%arg19 : memref<!tpu.dma_semaphore, #tpu.memory_space<semaphore_mem>>) src(%dma_wait3A_130 : memref<160x128xf32, #tpu.memory_space<hbm>>) dst(%arg10 : memref<160x128xf32, #tpu.memory_space<vmem>>)
        %scan3A_131 = arith.constant 0 : i32
        %scan3A_132 = arith.constant 0 : i32
        %scan3A_133 = arith.constant 80 : i32
        %scan3A_134 = arith.addi %scan3A_132, %scan3A_133 : i32
        %scan3A_135 = arith.constant 1 : i32
        scf.for %scan3A_140 = %scan3A_132 to %scan3A_134 step %scan3A_135  : i32 {
          %mul3A_141 = arith.constant 2 : i32
          %mul3A_142 = arith.muli %mul3A_141, %scan3A_140 : i32
          %add3A_143 = arith.constant 0 : i32
          %add3A_144 = arith.addi %mul3A_142, %add3A_143 : i32
          %get3A = arith.index_cast %add3A_144 : i32 to index
          %get3A_145 = arith.constant 0 : index
          %get3A_146 = tpu.vector_load %arg10[%get3A, %get3A_145] {strides = array<i32>} : memref<160x128xf32, #tpu.memory_space<vmem>>, vector<1x16xf32>,
          %get3A_147 = vector.shape_cast %get3A_146 : vector<1x16xf32> to vector<16xf32>
          %swap3A = arith.index_cast %add3A_144 : i32 to index
          %swap3A_148 = arith.constant 0 : index
          %swap3A_149 = tpu.vector_load %arg13[%swap3A, %swap3A_148] {strides = array<i32>} : memref<160x128xf32, #tpu.memory_space<vmem>>, vector<1x16xf32>,
          %swap3A_150 = vector.shape_cast %swap3A_149 : vector<1x16xf32> to vector<16xf32>
          %swap3A_151 = vector.shape_cast %get3A_147 : vector<16xf32> to vector<1x16xf32>
          tpu.vector_store %arg13[%swap3A, %swap3A_148], %swap3A_151 {add = true, strides = array<i32>} : memref<160x128xf32, #tpu.memory_space<vmem>>, vector<1x16xf32>,
          %get3A_152 = arith.index_cast %add3A_144 : i32 to index
          %get3A_153 = arith.constant 16 : index
          %get3A_154 = tpu.vector_load %arg10[%get3A_152, %get3A_153] {strides = array<i32>} : memref<160x128xf32, #tpu.memory_space<vmem>>, vector<1x16xf32>,
          %get3A_155 = vector.shape_cast %get3A_154 : vector<1x16xf32> to vector<16xf32>
          %swap3A_156 = arith.index_cast %add3A_144 : i32 to index
          %swap3A_157 = arith.constant 16 : index
          %swap3A_158 = tpu.vector_load %arg13[%swap3A_156, %swap3A_157] {strides = array<i32>} : memref<160x128xf32, #tpu.memory_space<vmem>>, vector<1x16xf32>,
          %swap3A_159 = vector.shape_cast %swap3A_158 : vector<1x16xf32> to vector<16xf32>
          %swap3A_160 = vector.shape_cast %get3A_155 : vector<16xf32> to vector<1x16xf32>
          tpu.vector_store %arg13[%swap3A_156, %swap3A_157], %swap3A_160 {add = true, strides = array<i32>} : memref<160x128xf32, #tpu.memory_space<vmem>>, vector<1x16xf32>,
          %get3A_161 = arith.index_cast %add3A_144 : i32 to index
          %get3A_162 = arith.constant 32 : index
          %get3A_163 = tpu.vector_load %arg10[%get3A_161, %get3A_162] {strides = array<i32>} : memref<160x128xf32, #tpu.memory_space<vmem>>, vector<1x16xf32>,
          %get3A_164 = vector.shape_cast %get3A_163 : vector<1x16xf32> to vector<16xf32>
          %swap3A_165 = arith.index_cast %add3A_144 : i32 to index
          %swap3A_166 = arith.constant 32 : index
          %swap3A_167 = tpu.vector_load %arg13[%swap3A_165, %swap3A_166] {strides = array<i32>} : memref<160x128xf32, #tpu.memory_space<vmem>>, vector<1x16xf32>,
          %swap3A_168 = vector.shape_cast %swap3A_167 : vector<1x16xf32> to vector<16xf32>
          %swap3A_169 = vector.shape_cast %get3A_164 : vector<16xf32> to vector<1x16xf32>
          tpu.vector_store %arg13[%swap3A_165, %swap3A_166], %swap3A_169 {add = true, strides = array<i32>} : memref<160x128xf32, #tpu.memory_space<vmem>>, vector<1x16xf32>,
          %get3A_170 = arith.index_cast %add3A_144 : i32 to index
          %get3A_171 = arith.constant 48 : index
          %get3A_172 = tpu.vector_load %arg10[%get3A_170, %get3A_171] {strides = array<i32>} : memref<160x128xf32, #tpu.memory_space<vmem>>, vector<1x16xf32>,
          %get3A_173 = vector.shape_cast %get3A_172 : vector<1x16xf32> to vector<16xf32>
          %swap3A_174 = arith.index_cast %add3A_144 : i32 to index
          %swap3A_175 = arith.constant 48 : index
          %swap3A_176 = tpu.vector_load %arg13[%swap3A_174, %swap3A_175] {strides = array<i32>} : memref<160x128xf32, #tpu.memory_space<vmem>>, vector<1x16xf32>,
          %swap3A_177 = vector.shape_cast %swap3A_176 : vector<1x16xf32> to vector<16xf32>
          %swap3A_178 = vector.shape_cast %get3A_173 : vector<16xf32> to vector<1x16xf32>
          tpu.vector_store %arg13[%swap3A_174, %swap3A_175], %swap3A_178 {add = true, strides = array<i32>} : memref<160x128xf32, #tpu.memory_space<vmem>>, vector<1x16xf32>,
          %get3A_179 = arith.index_cast %add3A_144 : i32 to index
          %get3A_180 = arith.constant 64 : index
          %get3A_181 = tpu.vector_load %arg10[%get3A_179, %get3A_180] {strides = array<i32>} : memref<160x128xf32, #tpu.memory_space<vmem>>, vector<1x16xf32>,
          %get3A_182 = vector.shape_cast %get3A_181 : vector<1x16xf32> to vector<16xf32>
          %swap3A_183 = arith.index_cast %add3A_144 : i32 to index
          %swap3A_184 = arith.constant 64 : index
          %swap3A_185 = tpu.vector_load %arg13[%swap3A_183, %swap3A_184] {strides = array<i32>} : memref<160x128xf32, #tpu.memory_space<vmem>>, vector<1x16xf32>,
          %swap3A_186 = vector.shape_cast %swap3A_185 : vector<1x16xf32> to vector<16xf32>
          %swap3A_187 = vector.shape_cast %get3A_182 : vector<16xf32> to vector<1x16xf32>
          tpu.vector_store %arg13[%swap3A_183, %swap3A_184], %swap3A_187 {add = true, strides = array<i32>} : memref<160x128xf32, #tpu.memory_space<vmem>>, vector<1x16xf32>,
          %get3A_188 = arith.index_cast %add3A_144 : i32 to index
          %get3A_189 = arith.constant 80 : index
          %get3A_190 = tpu.vector_load %arg10[%get3A_188, %get3A_189] {strides = array<i32>} : memref<160x128xf32, #tpu.memory_space<vmem>>, vector<1x16xf32>,
          %get3A_191 = vector.shape_cast %get3A_190 : vector<1x16xf32> to vector<16xf32>
          %swap3A_192 = arith.index_cast %add3A_144 : i32 to index
          %swap3A_193 = arith.constant 80 : index
          %swap3A_194 = tpu.vector_load %arg13[%swap3A_192, %swap3A_193] {strides = array<i32>} : memref<160x128xf32, #tpu.memory_space<vmem>>, vector<1x16xf32>,
          %swap3A_195 = vector.shape_cast %swap3A_194 : vector<1x16xf32> to vector<16xf32>
          %swap3A_196 = vector.shape_cast %get3A_191 : vector<16xf32> to vector<1x16xf32>
          tpu.vector_store %arg13[%swap3A_192, %swap3A_193], %swap3A_196 {add = true, strides = array<i32>} : memref<160x128xf32, #tpu.memory_space<vmem>>, vector<1x16xf32>,
          %get3A_197 = arith.index_cast %add3A_144 : i32 to index
          %get3A_198 = arith.constant 96 : index
          %get3A_199 = tpu.vector_load %arg10[%get3A_197, %get3A_198] {strides = array<i32>} : memref<160x128xf32, #tpu.memory_space<vmem>>, vector<1x16xf32>,
          %get3A_200 = vector.shape_cast %get3A_199 : vector<1x16xf32> to vector<16xf32>
          %swap3A_201 = arith.index_cast %add3A_144 : i32 to index
          %swap3A_202 = arith.constant 96 : index
          %swap3A_203 = tpu.vector_load %arg13[%swap3A_201, %swap3A_202] {strides = array<i32>} : memref<160x128xf32, #tpu.memory_space<vmem>>, vector<1x16xf32>,
          %swap3A_204 = vector.shape_cast %swap3A_203 : vector<1x16xf32> to vector<16xf32>
          %swap3A_205 = vector.shape_cast %get3A_200 : vector<16xf32> to vector<1x16xf32>
          tpu.vector_store %arg13[%swap3A_201, %swap3A_202], %swap3A_205 {add = true, strides = array<i32>} : memref<160x128xf32, #tpu.memory_space<vmem>>, vector<1x16xf32>,
          %get3A_206 = arith.index_cast %add3A_144 : i32 to index
          %get3A_207 = arith.constant 112 : index
          %get3A_208 = tpu.vector_load %arg10[%get3A_206, %get3A_207] {strides = array<i32>} : memref<160x128xf32, #tpu.memory_space<vmem>>, vector<1x16xf32>,
          %get3A_209 = vector.shape_cast %get3A_208 : vector<1x16xf32> to vector<16xf32>
          %swap3A_210 = arith.index_cast %add3A_144 : i32 to index
          %swap3A_211 = arith.constant 112 : index
          %swap3A_212 = tpu.vector_load %arg13[%swap3A_210, %swap3A_211] {strides = array<i32>} : memref<160x128xf32, #tpu.memory_space<vmem>>, vector<1x16xf32>,
          %swap3A_213 = vector.shape_cast %swap3A_212 : vector<1x16xf32> to vector<16xf32>
          %swap3A_214 = vector.shape_cast %get3A_209 : vector<16xf32> to vector<1x16xf32>
          tpu.vector_store %arg13[%swap3A_210, %swap3A_211], %swap3A_214 {add = true, strides = array<i32>} : memref<160x128xf32, #tpu.memory_space<vmem>>, vector<1x16xf32>,
          %mul3A_215 = arith.constant 2 : i32
          %mul3A_216 = arith.muli %mul3A_215, %scan3A_140 : i32
          %add3A_217 = arith.constant 1 : i32
          %add3A_218 = arith.addi %mul3A_216, %add3A_217 : i32
          %get3A_219 = arith.index_cast %add3A_218 : i32 to index
          %get3A_220 = arith.constant 0 : index
          %get3A_221 = tpu.vector_load %arg10[%get3A_219, %get3A_220] {strides = array<i32>} : memref<160x128xf32, #tpu.memory_space<vmem>>, vector<1x16xf32>,
          %get3A_222 = vector.shape_cast %get3A_221 : vector<1x16xf32> to vector<16xf32>
          %swap3A_223 = arith.index_cast %add3A_218 : i32 to index
          %swap3A_224 = arith.constant 0 : index
          %swap3A_225 = tpu.vector_load %arg13[%swap3A_223, %swap3A_224] {strides = array<i32>} : memref<160x128xf32, #tpu.memory_space<vmem>>, vector<1x16xf32>,
          %swap3A_226 = vector.shape_cast %swap3A_225 : vector<1x16xf32> to vector<16xf32>
          %swap3A_227 = vector.shape_cast %get3A_222 : vector<16xf32> to vector<1x16xf32>
          tpu.vector_store %arg13[%swap3A_223, %swap3A_224], %swap3A_227 {add = true, strides = array<i32>} : memref<160x128xf32, #tpu.memory_space<vmem>>, vector<1x16xf32>,
          %get3A_228 = arith.index_cast %add3A_218 : i32 to index
          %get3A_229 = arith.constant 16 : index
          %get3A_230 = tpu.vector_load %arg10[%get3A_228, %get3A_229] {strides = array<i32>} : memref<160x128xf32, #tpu.memory_space<vmem>>, vector<1x16xf32>,
          %get3A_231 = vector.shape_cast %get3A_230 : vector<1x16xf32> to vector<16xf32>
          %swap3A_232 = arith.index_cast %add3A_218 : i32 to index
          %swap3A_233 = arith.constant 16 : index
          %swap3A_234 = tpu.vector_load %arg13[%swap3A_232, %swap3A_233] {strides = array<i32>} : memref<160x128xf32, #tpu.memory_space<vmem>>, vector<1x16xf32>,
          %swap3A_235 = vector.shape_cast %swap3A_234 : vector<1x16xf32> to vector<16xf32>
          %swap3A_236 = vector.shape_cast %get3A_231 : vector<16xf32> to vector<1x16xf32>
          tpu.vector_store %arg13[%swap3A_232, %swap3A_233], %swap3A_236 {add = true, strides = array<i32>} : memref<160x128xf32, #tpu.memory_space<vmem>>, vector<1x16xf32>,
          %get3A_237 = arith.index_cast %add3A_218 : i32 to index
          %get3A_238 = arith.constant 32 : index
          %get3A_239 = tpu.vector_load %arg10[%get3A_237, %get3A_238] {strides = array<i32>} : memref<160x128xf32, #tpu.memory_space<vmem>>, vector<1x16xf32>,
          %get3A_240 = vector.shape_cast %get3A_239 : vector<1x16xf32> to vector<16xf32>
          %swap3A_241 = arith.index_cast %add3A_218 : i32 to index
          %swap3A_242 = arith.constant 32 : index
          %swap3A_243 = tpu.vector_load %arg13[%swap3A_241, %swap3A_242] {strides = array<i32>} : memref<160x128xf32, #tpu.memory_space<vmem>>, vector<1x16xf32>,
          %swap3A_244 = vector.shape_cast %swap3A_243 : vector<1x16xf32> to vector<16xf32>
          %swap3A_245 = vector.shape_cast %get3A_240 : vector<16xf32> to vector<1x16xf32>
          tpu.vector_store %arg13[%swap3A_241, %swap3A_242], %swap3A_245 {add = true, strides = array<i32>} : memref<160x128xf32, #tpu.memory_space<vmem>>, vector<1x16xf32>,
          %get3A_246 = arith.index_cast %add3A_218 : i32 to index
          %get3A_247 = arith.constant 48 : index
          %get3A_248 = tpu.vector_load %arg10[%get3A_246, %get3A_247] {strides = array<i32>} : memref<160x128xf32, #tpu.memory_space<vmem>>, vector<1x16xf32>,
          %get3A_249 = vector.shape_cast %get3A_248 : vector<1x16xf32> to vector<16xf32>
          %swap3A_250 = arith.index_cast %add3A_218 : i32 to index
          %swap3A_251 = arith.constant 48 : index
          %swap3A_252 = tpu.vector_load %arg13[%swap3A_250, %swap3A_251] {strides = array<i32>} : memref<160x128xf32, #tpu.memory_space<vmem>>, vector<1x16xf32>,
          %swap3A_253 = vector.shape_cast %swap3A_252 : vector<1x16xf32> to vector<16xf32>
          %swap3A_254 = vector.shape_cast %get3A_249 : vector<16xf32> to vector<1x16xf32>
          tpu.vector_store %arg13[%swap3A_250, %swap3A_251], %swap3A_254 {add = true, strides = array<i32>} : memref<160x128xf32, #tpu.memory_space<vmem>>, vector<1x16xf32>,
          %get3A_255 = arith.index_cast %add3A_218 : i32 to index
          %get3A_256 = arith.constant 64 : index
          %get3A_257 = tpu.vector_load %arg10[%get3A_255, %get3A_256] {strides = array<i32>} : memref<160x128xf32, #tpu.memory_space<vmem>>, vector<1x16xf32>,
          %get3A_258 = vector.shape_cast %get3A_257 : vector<1x16xf32> to vector<16xf32>
          %swap3A_259 = arith.index_cast %add3A_218 : i32 to index
          %swap3A_260 = arith.constant 64 : index
          %swap3A_261 = tpu.vector_load %arg13[%swap3A_259, %swap3A_260] {strides = array<i32>} : memref<160x128xf32, #tpu.memory_space<vmem>>, vector<1x16xf32>,
          %swap3A_262 = vector.shape_cast %swap3A_261 : vector<1x16xf32> to vector<16xf32>
          %swap3A_263 = vector.shape_cast %get3A_258 : vector<16xf32> to vector<1x16xf32>
          tpu.vector_store %arg13[%swap3A_259, %swap3A_260], %swap3A_263 {add = true, strides = array<i32>} : memref<160x128xf32, #tpu.memory_space<vmem>>, vector<1x16xf32>,
          %get3A_264 = arith.index_cast %add3A_218 : i32 to index
          %get3A_265 = arith.constant 80 : index
          %get3A_266 = tpu.vector_load %arg10[%get3A_264, %get3A_265] {strides = array<i32>} : memref<160x128xf32, #tpu.memory_space<vmem>>, vector<1x16xf32>,
          %get3A_267 = vector.shape_cast %get3A_266 : vector<1x16xf32> to vector<16xf32>
          %swap3A_268 = arith.index_cast %add3A_218 : i32 to index
          %swap3A_269 = arith.constant 80 : index
          %swap3A_270 = tpu.vector_load %arg13[%swap3A_268, %swap3A_269] {strides = array<i32>} : memref<160x128xf32, #tpu.memory_space<vmem>>, vector<1x16xf32>,
          %swap3A_271 = vector.shape_cast %swap3A_270 : vector<1x16xf32> to vector<16xf32>
          %swap3A_272 = vector.shape_cast %get3A_267 : vector<16xf32> to vector<1x16xf32>
          tpu.vector_store %arg13[%swap3A_268, %swap3A_269], %swap3A_272 {add = true, strides = array<i32>} : memref<160x128xf32, #tpu.memory_space<vmem>>, vector<1x16xf32>,
          %get3A_273 = arith.index_cast %add3A_218 : i32 to index
          %get3A_274 = arith.constant 96 : index
          %get3A_275 = tpu.vector_load %arg10[%get3A_273, %get3A_274] {strides = array<i32>} : memref<160x128xf32, #tpu.memory_space<vmem>>, vector<1x16xf32>,
          %get3A_276 = vector.shape_cast %get3A_275 : vector<1x16xf32> to vector<16xf32>
          %swap3A_277 = arith.index_cast %add3A_218 : i32 to index
          %swap3A_278 = arith.constant 96 : index
          %swap3A_279 = tpu.vector_load %arg13[%swap3A_277, %swap3A_278] {strides = array<i32>} : memref<160x128xf32, #tpu.memory_space<vmem>>, vector<1x16xf32>,
          %swap3A_280 = vector.shape_cast %swap3A_279 : vector<1x16xf32> to vector<16xf32>
          %swap3A_281 = vector.shape_cast %get3A_276 : vector<16xf32> to vector<1x16xf32>
          tpu.vector_store %arg13[%swap3A_277, %swap3A_278], %swap3A_281 {add = true, strides = array<i32>} : memref<160x128xf32, #tpu.memory_space<vmem>>, vector<1x16xf32>,
          %get3A_282 = arith.index_cast %add3A_218 : i32 to index
          %get3A_283 = arith.constant 112 : index
          %get3A_284 = tpu.vector_load %arg10[%get3A_282, %get3A_283] {strides = array<i32>} : memref<160x128xf32, #tpu.memory_space<vmem>>, vector<1x16xf32>,
          %get3A_285 = vector.shape_cast %get3A_284 : vector<1x16xf32> to vector<16xf32>
          %swap3A_286 = arith.index_cast %add3A_218 : i32 to index
          %swap3A_287 = arith.constant 112 : index
          %swap3A_288 = tpu.vector_load %arg13[%swap3A_286, %swap3A_287] {strides = array<i32>} : memref<160x128xf32, #tpu.memory_space<vmem>>, vector<1x16xf32>,
          %swap3A_289 = vector.shape_cast %swap3A_288 : vector<1x16xf32> to vector<16xf32>
          %swap3A_290 = vector.shape_cast %get3A_285 : vector<16xf32> to vector<1x16xf32>
          tpu.vector_store %arg13[%swap3A_286, %swap3A_287], %swap3A_290 {add = true, strides = array<i32>} : memref<160x128xf32, #tpu.memory_space<vmem>>, vector<1x16xf32>,
        }
        %scan3A_136 = arith.constant 80 : i32
        %dma_start3A = arith.constant 0 : i32
        %dma_start3A_137 = tpu.memref_slice %arg5[%mul3A_106, %dma_start3A] : memref<100000x128xf32, #tpu.memory_space<hbm>> -> memref<160x128xf32, #tpu.memory_space<hbm>>
        %dma_start3A_138 = arith.constant 0 : i32
        %dma_start3A_139 = tpu.memref_slice %arg5[%mul3A_106, %dma_start3A_138] : memref<100000x128xf32, #tpu.memory_space<hbm>> -> memref<160x128xf32, #tpu.memory_space<hbm>>
        tpu.enqueue_dma source(%arg13 : memref<160x128xf32, #tpu.memory_space<vmem>>) target(%dma_start3A_139 : memref<160x128xf32, #tpu.memory_space<hbm>>) target_semaphore(%arg22 : memref<!tpu.dma_semaphore, #tpu.memory_space<semaphore_mem>>)
      } else {
      }
    }
    %scan3A_31 = arith.constant 7 : i32
    %dma_wait3A = arith.constant 0 : i32
    %dma_wait3A_32 = arith.constant 0 : i32
    %dma_wait3A_33 = tpu.memref_slice %arg5[%dma_wait3A, %dma_wait3A_32] : memref<100000x128xf32, #tpu.memory_space<hbm>> -> memref<160x128xf32, #tpu.memory_space<hbm>>
    %dma_wait3A_34 = arith.constant 0 : i32
    %dma_wait3A_35 = arith.constant 0 : i32
    %dma_wait3A_36 = tpu.memref_slice %arg5[%dma_wait3A_34, %dma_wait3A_35] : memref<100000x128xf32, #tpu.memory_space<hbm>> -> memref<160x128xf32, #tpu.memory_space<hbm>>
    tpu.wait_dma2 semaphore(%arg20 : memref<!tpu.dma_semaphore, #tpu.memory_space<semaphore_mem>>) src(%arg11 : memref<160x128xf32, #tpu.memory_space<vmem>>) dst(%dma_wait3A_36 : memref<160x128xf32, #tpu.memory_space<hbm>>)
    %dma_wait3A_37 = arith.constant 0 : i32
    %dma_wait3A_38 = arith.constant 0 : i32
    %dma_wait3A_39 = tpu.memref_slice %arg5[%dma_wait3A_37, %dma_wait3A_38] : memref<100000x128xf32, #tpu.memory_space<hbm>> -> memref<160x128xf32, #tpu.memory_space<hbm>>
    %dma_wait3A_40 = arith.constant 0 : i32
    %dma_wait3A_41 = arith.constant 0 : i32
    %dma_wait3A_42 = tpu.memref_slice %arg5[%dma_wait3A_40, %dma_wait3A_41] : memref<100000x128xf32, #tpu.memory_space<hbm>> -> memref<160x128xf32, #tpu.memory_space<hbm>>
    tpu.wait_dma2 semaphore(%arg21 : memref<!tpu.dma_semaphore, #tpu.memory_space<semaphore_mem>>) src(%arg12 : memref<160x128xf32, #tpu.memory_space<vmem>>) dst(%dma_wait3A_42 : memref<160x128xf32, #tpu.memory_space<hbm>>)
    %dma_wait3A_43 = arith.constant 0 : i32
    %dma_wait3A_44 = arith.constant 0 : i32
    %dma_wait3A_45 = tpu.memref_slice %arg5[%dma_wait3A_43, %dma_wait3A_44] : memref<100000x128xf32, #tpu.memory_space<hbm>> -> memref<160x128xf32, #tpu.memory_space<hbm>>
    %dma_wait3A_46 = arith.constant 0 : i32
    %dma_wait3A_47 = arith.constant 0 : i32
    %dma_wait3A_48 = tpu.memref_slice %arg5[%dma_wait3A_46, %dma_wait3A_47] : memref<100000x128xf32, #tpu.memory_space<hbm>> -> memref<160x128xf32, #tpu.memory_space<hbm>>
    tpu.wait_dma2 semaphore(%arg22 : memref<!tpu.dma_semaphore, #tpu.memory_space<semaphore_mem>>) src(%arg13 : memref<160x128xf32, #tpu.memory_space<vmem>>) dst(%dma_wait3A_48 : memref<160x128xf32, #tpu.memory_space<hbm>>)
    return
  }
}

</mosaic_0001>

<sc_bundles>
// kernel: _run.3.cloned.1.call-start
scs
__scs_entry_jumppad:
0x0: {  	(pc) =	sbr.rel $0x88, $3  }
0x1: {  	(tag) =	ssettag $0x0;
	lr =	simm.s32 $0x1  }
0x2: {  	[smem:$0x3F9E] =	sst lr;
	_ =	strace $0xD0000000  }
0x3: {  	_ = 	snop  }
0x4: {  	_ = 	snop  }
0x5: {  	_ = 	snop  }
0x6: {  	_ = 	snop  }
0x7: {  	_ = 	snop  }
__scs_overlays_trampoline_lowered:
0x8: {  	[smem:$0x3FAD] =	sst s0  }
0x9: {  	[smem:$0x3FAE] =	sst s1  }
0xa: {  	[smem:$0x3FAF] =	sst s2  }
0xb: {  	[smem:$0x3FB0] =	sst s3  }
0xc: {  	[smem:$0x3FB1] =	sst s4  }
0xd: {  	[smem:$0x3FB2] =	sst s5  }
0xe: {  	[smem:$0x3FB3] =	sst s6  }
0xf: {  	[smem:$0x3FB4] =	sst s7  }
0x10: {  	[smem:$0x3FB5] =	sst s8  }
0x11: {  	[smem:$0x3FB6] =	sst s9;
	s0 =	simm.s32 @!p0 $0x0  }
0x12: {  	s1 =	sld [smem:$0x3F9C];
	s0 =	simm.s32 @p0 $0x1  }
0x13: {  	[smem:$0x3FB7] =	sst s0;
	s0 =	simm.s32 @!p1 $0x0  }
0x14: {  	s2 =	sld [smem:$0x3F9B];
	s0 =	simm.s32 @p1 $0x1  }
0x15: {  	[smem:$0x3FB8] =	sst s0;
	s0 =	simm.s32 @!p2 $0x0  }
0x16: {  	s3 =	sld [smem:$0x3FDB];
	s0 =	simm.s32 @p2 $0x1  }
0x17: {  	s4 =	simm.s32 $0x1BF5;
	[smem:$0x3FBA] =	sst s0  }
0x18: {  	s0 =	sld [smem:$0x3F9D];
	_ =	swait.ge [sflag:s4], $0x0  }
0x19: {  	s7 =	sld [smem:$0x3F9E]  }
0x1a: {  	s8 =	sadd.s32 $0xFFFFE003, lr  }
0x1b: {  	s9 =	sadd.s32 $0xFFFFFEF7, lr;
	s5 =	simm.s32 $0xFFFFFFFF;
	p2 =	slt.u32 s8, $0xFFFFF086  }
0x1c: {  	p1 =	slt.u32 s9, $0xF7A;
	s5 =	simm.s32 @!p2 $0x0  }
0x1d: {  	s5 =	simm.s32 @p1 $0x1;
	p0 =	seq.s32 s7, s2  }
0x1e: {  	s7 =	smul.u32 @!p0 $0xF7A, s2;
	p2 =	seq.s32 @!p0 s5, $0x0  }
0x1f: {  	s9 =	smul.u32 $0xF7A, s1;
	s8 =	simm.s32 @!p0 $0x1BF5;
	p2 =	por !p2, p0  }
0x20: {  	[sflag:s8] =	ssyncset.s32 @!p0 $0xFFFFF086;
	s6 =	sadd.s32 @!p0 s3, s7;
	s7 =	simm.s32 @!p0 $0x108  }
0x21: {  	s3 =	sadd.s32 s3, s9;
	s6 =	sadd.s32 @!p0 $0x88, s6;
	s7 =	simm.s32 @p2 $0x1082  }
0x22: {  	[simem:s7], [sflag:s8] =	dma.local @!p0 [hbm:s6], $0xF7A  }
0x23: {  	s9 =	sor.u32 $0xD0000000, s2;
	s6 =	simm.s32 $0x108;
	_ =	swait.ge @!p0 [sflag:s8], $0x0  }
0x24: {  	s3 =	sadd.s32 $0x88, s3;
	s6 =	simm.s32 @!p1 $0x1082;
	[sflag:s4] =	ssyncset.s32 $0xFFFFF086  }
0x25: {  	[simem:s6], [sflag:s4] =	dma.local [hbm:s3], $0xF7A  }
0x26: {  	[smem:$0x3F9E] =	sst s1;
	(tag) =	ssettag s2;
	_ =	strace s9  }
0x27: {  	s1 =	sld [smem:$0x3FAE]  }
0x28: {  	s2 =	sld [smem:$0x3FAF]  }
0x29: {  	s4 =	sld [smem:$0x3FB1]  }
0x2a: {  	p0 =	seq.s32 s5, $0x0;
	s5 =	sld [smem:$0x3FB2]  }
0x2b: {  	s6 =	sld [smem:$0x3FB3]  }
0x2c: {  	s7 =	sld [smem:$0x3FB4]  }
0x2d: {  	s3 =	simm.s32 $0x108;
	s8 =	sld [smem:$0x3FB5]  }
0x2e: {  	s3 =	simm.s32 @!p0 $0x1082;
	s9 =	sld [smem:$0x3FB6]  }
0x2f: {  	lr =	sadd.s32 s0, s3;
	s0 =	sld [smem:$0x3FAD]  }
0x30: {  	s3 =	sld [smem:$0x3FB0]  }
0x31: {  	[smem:$0x3FB9] =	sst s10  }
0x32: {  	s10 =	sld [smem:$0x3FB7];
	_ =	sdelay $0x3  }
0x33: {  	p0 =	seq.s32 s10, $0x1;
	s10 =	sld [smem:$0x3FB9];
	_ =	sdelay $0x3  }
0x34: {  	[smem:$0x3FB9] =	sst s10  }
0x35: {  	s10 =	sld [smem:$0x3FB8];
	_ =	sdelay $0x3  }
0x36: {  	p1 =	seq.s32 s10, $0x1;
	s10 =	sld [smem:$0x3FB9];
	_ =	sdelay $0x3  }
0x37: {  	[smem:$0x3FB9] =	sst s10  }
0x38: {  	s10 =	sld [smem:$0x3FBA]  }
0x39: {  	_ = 	snop;
	(pc) =	sbr.ind lr, $3  }
0x3a: {  	_ = 	snop  }
0x3b: {  	_ = 	snop  }
0x3c: {  	p2 =	seq.s32 s10, $0x1;
	s10 =	sld [smem:$0x3FB9]  }
0x3d: {  	_ =	shalt  }
0x3e: {  	_ =	shalt  }
0x3f: {  	_ =	shalt  }
0x40: {  	_ =	shalt  }
0x41: {  	_ =	shalt  }
0x42: {  	_ =	shalt  }
0x43: {  	_ =	shalt  }
0x44: {  	_ =	shalt  }
0x45: {  	_ =	shalt  }
0x46: {  	_ =	shalt  }
0x47: {  	_ =	shalt  }
0x48: {  	_ =	shalt  }
0x49: {  	_ =	shalt  }
0x4a: {  	_ =	shalt  }
0x4b: {  	_ =	shalt  }
0x4c: {  	_ =	shalt  }
0x4d: {  	_ =	shalt  }
0x4e: {  	_ =	shalt  }
0x4f: {  	_ =	shalt  }
0x50: {  	_ =	shalt  }
0x51: {  	_ =	shalt  }
0x52: {  	_ =	shalt  }
0x53: {  	_ =	shalt  }
0x54: {  	_ =	shalt  }
0x55: {  	_ =	shalt  }
0x56: {  	_ =	shalt  }
0x57: {  	_ =	shalt  }
0x58: {  	_ =	shalt  }
0x59: {  	_ =	shalt  }
0x5a: {  	_ =	shalt  }
0x5b: {  	_ =	shalt  }
0x5c: {  	_ =	shalt  }
0x5d: {  	_ =	shalt  }
0x5e: {  	_ =	shalt  }
0x5f: {  	_ =	shalt  }
0x60: {  	_ =	shalt  }
0x61: {  	_ =	shalt  }
0x62: {  	_ =	shalt  }
0x63: {  	_ =	shalt  }
0x64: {  	_ =	shalt  }
0x65: {  	_ =	shalt  }
0x66: {  	_ =	shalt  }
0x67: {  	_ =	shalt  }
0x68: {  	_ =	shalt  }
0x69: {  	_ =	shalt  }
0x6a: {  	_ =	shalt  }
0x6b: {  	_ =	shalt  }
0x6c: {  	_ =	shalt  }
0x6d: {  	_ =	shalt  }
0x6e: {  	_ =	shalt  }
0x6f: {  	_ =	shalt  }
0x70: {  	_ =	shalt  }
0x71: {  	_ =	shalt  }
0x72: {  	_ =	shalt  }
0x73: {  	_ =	shalt  }
0x74: {  	_ =	shalt  }
0x75: {  	_ =	shalt  }
0x76: {  	_ =	shalt  }
0x77: {  	_ =	shalt  }
0x78: {  	_ =	shalt  }
0x79: {  	_ =	shalt  }
0x7a: {  	_ =	shalt  }
0x7b: {  	_ =	shalt  }
0x7c: {  	_ =	shalt  }
0x7d: {  	_ =	shalt  }
0x7e: {  	_ =	shalt  }
0x7f: {  	_ =	shalt  }
0x80: {  	_ =	shalt  }
0x81: {  	_ =	shalt  }
0x82: {  	_ =	shalt  }
0x83: {  	_ =	shalt  }
0x84: {  	_ =	shalt  }
0x85: {  	_ =	shalt  }
0x86: {  	_ =	shalt  }
0x87: {  	_ =	shalt  }
.Lfunc_end0:
.L_simem_size_0:
called_computation_lowered:
.L_overlay_start_0:
0x88: {  	s2 =	sld [smem:$0x3FD9]  }
0x89: {  	s3 =	sld [smem:$0x3FFE];
	_ =	sdelay $0x1  }
0x8a: {  	s1 =	srdreg.scid  }
0x8b: {  	s0 =	sand.u32 $0x1, s1  }
0x8c: {  	s18 =	sshll.u32 s0, $0xA;
	s2 =	sadd.s32 s3, s2  }
0x8d: {  	s2 =	sadd.s32 s2, s18  }
0x8e: {  	[smem:$0x3FC5] =	sst s2  }
0x8f: {  	_ = 	snop  }
0x90: {  	s2 =	sld [smem:$0x3FC9]  }
0x91: {  	s19 =	sld [smem:$0x3FC8]  }
0x92: {  	s4 =	sld [smem:$0x3FC7]  }
0x93: {  	s5 =	sld [smem:$0x3FD0];
	(tm) =	ssettm $0x1  }
0x94: {  	s6 =	sld [smem:$0x3FFB];
	_ =	sdelay $0x3  }
0x95: {  	_ =	strace s6  }
0x96: {  	s6 =	sld [smem:$0x3FFC];
	_ =	sdelay $0x3  }
0x97: {  	_ =	strace s6  }
0x98: {  	s6 =	sld [smem:$0x3FFD];
	_ =	sdelay $0x3  }
0x99: {  	_ =	strace s6  }
0x9a: {  	_ =	strace $0x8FFFFFFF  }
0x9b: {  	s20 =	sld [smem:$0x3FDB];
	_ =	sdelay $0x1  }
0x9c: {  	s7 =	simm.s32 $_scs_section_size  }
0x9d: {  	s8 =	simm.s32 $_size__tile_overlayer_lowered;
	s9 =	simm.s32 $_tile_overlayer_lowered  }
0x9e: {  	s23 =	simm.s32 $0x1BFF;
	s22 =	sshll.u32 s9, $0x1;
	s6 =	sadd.s32 s7, s20  }
0x9f: {  	s10 =	simm.s32 $0x0;
	s21 =	sshll.u32 s8, $0x1;
	s8 =	sadd.s32 s22, s6  }
0xa0: {  	[timem:s10], [sflag:s23] =	dma.local [hbm:s8], s21  }
0xa1: {  	_ =	swait.ge [sflag:s23], s21  }
0xa2: {  	s7 =	ssub.s32 $0x0, s21;
	[sflag:s23] =	ssyncset.done $0x0  }
0xa3: {  	[sflag:s23] =	ssyncadd.s32 s7;
	_ =	sdelay $0x1  }
0xa4: {  	s24 =	simm.s32 $0x1B8B  }
0xa5: {  	_ =	swait.ge [sflag:s24], $0x1  }
0xa6: {  	[sflag:s24] =	ssyncset.done $0x0  }
0xa7: {  	s25 =	simm.s32 $0x1B8E;
	[sflag:s24] =	ssyncadd.s32 $0xFFFFFFFF  }
0xa8: {  	s26 =	simm.s32 $execute0_lowered;
	[smem:$0x3FD2] =	sst s25  }
0xa9: {  	s7 =	sshll.u32 s26, $0x1;
	_ =	strace $0x80000046;
	[dreg:$0x1] =	wrdreg $0xFFFFFFFF  }
0xaa: {  	s28 =	simm.s32 $_size_execute0_lowered;
	s6 =	sadd.s32 s6, s7;
	[dreg:$0x0] =	wrdreg $0x0  }
0xab: {  	s7 =	sshll.u32 s28, $0x1;
	[dreg:$0x2] =	wrdreg s6  }
0xac: {  	[dreg:$0x3] =	wrdreg s7  }
0xad: {  	[dreg:$0x4] =	wrdreg $0xC0  }
0xae: {  	_ =	task [dreg:s10], $0x5FFFF  }
0xaf: {  	[dreg:$0x1] =	wrdreg $0xFFFFFFFF  }
0xb0: {  	[dreg:$0x0] =	wrdreg $0x60  }
0xb1: {  	[dreg:$0x2] =	wrdreg s2  }
0xb2: {  	[dreg:$0x3] =	wrdreg s19  }
0xb3: {  	[dreg:$0x4] =	wrdreg s4  }
0xb4: {  	[dreg:$0x5] =	wrdreg s5  }
0xb5: {  	[dreg:$0x6] =	wrdreg $0x0  }
0xb6: {  	[dreg:$0x7] =	wrdreg $0x9  }
0xb7: {  	_ =	task.clear_ibuf [dreg:s10], $0x8FFFF;
	_ =	strace $0x90000046  }
0xb8: {  	s29 =	simm.s32 $0x9;
	_ =	strace $0x80000048  }
0xb9: {  	_ =	swait.ge [sflag:s29], $0x1  }
0xba: {  	[sflag:s29] =	ssyncadd.s32 $0xFFFFFFFF  }
0xbb: {  	_ =	strace $0x90000048  }
0xbc: {  	_ =	sfence  }
0xbd: {  	s30 =	sld [smem:$0x0];
	_ =	sdelay $0x2  }
0xbe: {  	s31 =	sshll.u32 s1, $0xD;
	s1 =	sshrl.u32 s1, $0x2  }
0xbf: {  	s3 =	sand.u32 $0x4000, s31;
	s1 =	sadd.s32 s1, s30  }
0xc0: {  	s0 =	sor.u32 s3, s0;
	s1 =	sshll.u32 s1, $0x11  }
0xc1: {  	s0 =	sor.u32 s1, s0  }
0xc2: {  	s0 =	sadd.s32 $0x8F2B, s0  }
0xc3: {  	[sflag:s0] =	ssyncadd.remote.s32 $0x1  }
0xc4: {  	_ =	sfence.sel $0xFFFF  }
0xc5: {  	[dreg:$0x0] =	wrdreg $0xFFFFFFFF;
	(pc) =	sbr.abs _section_cstart, $3  }
0xc6: {  	[dreg:$0x1] =	wrdreg $0xFFFFFFFF  }
0xc7: {  	_ =	task.clear_ibuf [dreg:s10], $0x2FFFF;
	_ =	strace $0x9FFFFFFF  }
0xc8: {  	(tm) =	ssettm $0x7FFFFFFF  }
0xc9: {  	_ =	shalt  }
tec
execute0_lowered:
.L_overlay_start_1:
0x0: {  	(tag) =	ssettag $0x1  }
0x1: {  	s0 =	rddreg [dreg:$0x0]  }
0x2: {  	s1 =	rddreg [dreg:$0x1]  }
0x3: {  	s2 =	srdreg.scid;
	s9 =	stileid.u32  }
0x4: {  	s3 =	rddreg [dreg:$0x3];
	s5 =	simm.s32 $0x0;
	s15 =	simm.s32 $0xA  }
0x5: {  	s16 =	simm.s32 $0x50;
	s17 =	simm.s32 $0x10D80;
	s22 =	simm.s32 $0x15D80  }
0x6: {  	s28 =	simm.s32 $0x4;
	s29 =	simm.s32 $0x2;
	s30 =	simm.s32 $0x5  }
0x7: {  	s31 =	simm.s32 $0x3;
	s18 =	simm.s32 $0x7;
	s19 =	simm.s32 $0x8  }
0x8: {  	s20 =	simm.s32 $0x9;
	s2 =	sand.u32 $0x1, s2;
	s4 =	sshll.u32 s9, $0x1  }
0x9: {  	s21 =	simm.s32 $0x0;
	[smem:$0x7FF] =	sst s5;
	s10 =	sor.u32 s2, s4  }
0xa: {  	s4 =	rddreg [dreg:$0x4];
	s2 =	ssub.s32 $0x2, s2;
	s6 =	smul.u32 $0x13, s10  }
0xb: {  	_ =	strace $0x80000047;
	s7 =	smin.u32 s10, $0x11;
	s23 =	sshrl.u32 s2, $0x1  }
0xc: {  	p0 =	slt.u32 s10, $0x11;
	p1 =	sgt.u32 s10, $0x10;
	s6 =	sadd.s32 s7, s6  }
0xd: {  	s2 =	ssub.s32 s2, s23;
	s7 =	simm.s32 $0x14;
	s8 =	smul.u32 $0xA0, s6  }
0xe: {  	s26 =	smax.u32 s2, $0x1;
	s2 =	simm.s32 $0x6;
	s11 =	smul.u32 $0x5000, s6  }
0xf: {  	s24 =	smul.u32 $0xA00, s6;
	s7 =	simm.s32 @!p0 $0x13;
	p0 =	sne.s32 s9, $0x0  }
.Ltmp0:
0x10: {  	[dreg:$0x9] =	wrdreg s26;
	s8 =	sshrl.u32 s8, $0x3;
	(pc) =	sbr.rel .LBB2_1-.Ltmp0, $4  }
0x11: {  	s11 =	sshrl.u32 s11, $0x3;
	s8 =	sadd.s32 s1, s8;
	s1 =	sadd.s32 s0, s24  }
0x12: {  	s25 =	sadd.s32 s0, s11;
	s12 =	sadd.s32 $0x17C, s8;
	[dreg:$0x7] =	wrdreg s1  }
0x13: {  	s26 =	simm.s32 $0x1;
	s1 =	sadd.s32 $0xA00, s25;
	[dreg:$0x6] =	wrdreg s12  }
0x14: {  	s13 =	sshrl.u32 @!p0 s4, $0x3;
	[dreg:$0x8] =	wrdreg s1;
	s1 =	simm.s32 $0x1AD80  }
.LBB2_15:
0x15: {  	_ =	swait.ge [sflag:s18], $0x5000  }
0x16: {  	[sflag:s18] =	ssyncset.done $0x0  }
0x17: {  	[sflag:s18] =	ssyncadd.s32 $0xFFFFB000  }
0x18: {  	_ =	swait.ge [sflag:s19], $0x5000  }
0x19: {  	[sflag:s19] =	ssyncset.done $0x0  }
0x1a: {  	[sflag:s19] =	ssyncadd.s32 $0xFFFFB000  }
0x1b: {  	_ =	swait.ge [sflag:s20], $0x5000  }
0x1c: {  	s21 =	sadd.s32 $0x1, s21;
	s9 =	rddreg [dreg:$0x9]  }
0x1d: {  	p2 =	sne.s32 s21, s9  }
.Ltmp1:
0x1e: {  	_ = 	snop;
	(pc) =	sbr.rel @!p2 .LBB2_16-.Ltmp1, $3  }
0x1f: {  	_ =	sdelay $0x1  }
0x20: {  	[sflag:s20] =	ssyncset.done $0x0  }
0x21: {  	[sflag:s20] =	ssyncadd.s32 $0xFFFFB000  }
.LBB2_1:
0x22: {  	s9 =	simm.s32 @!p0 $0x1C0A;
	s10 =	rddreg [dreg:$0x2]  }
0x23: {  	[spmem:s13], [sflag:s9] =	dma.local @!p0 [hbm:s10], $0x2000  }
0x24: {  	s9 =	simm.s32 @!p0 $0xA  }
0x25: {  	_ =	swait.ge @!p0 [sflag:s9], $0x2000  }
0x26: {  	[sflag:s9] =	ssyncset.done @!p0 $0x0  }
0x27: {  	s12 =	simm.s32 $0x1000;
	[sflag:s9] =	ssyncadd.s32 @!p0 $0xFFFFE000  }
0x28: {  	[tilespmem:s12], [sflag:$0xA] =	stream.linear.gather [hbm4b:s8+s5], $0xBE0, $0x38;
	[tilespmem:$0x1FD80] =	vst v63  }
0x29: {  	_ =	swait.ge [sflag:s15], $0xBE0  }
0x2a: {  	s10 =	simm.s32 @!p1 $0x1BE0;
	[sflag:s15] =	ssyncset.done $0x0  }
0x2b: {  	s9 =	simm.s32 @!p1 $0x0;
	s11 =	rddreg [dreg:$0x6];
	[sflag:s15] =	ssyncadd.s32 $0xFFFFF420  }
0x2c: {  	[tilespmem:s10], [sflag:$0xA] =	stream.linear.gather @!p1 [hbm4b:s11+s9], $0xA0, $0x38;
	[tilespmem:$0x1FD80] =	vst v63  }
0x2d: {  	s9 =	simm.s32 @!p1 $0xA  }
0x2e: {  	_ =	swait.ge @!p1 [sflag:s9], $0xA0  }
0x2f: {  	[sflag:s9] =	ssyncset.done @!p1 $0x0  }
0x30: {  	[sflag:s9] =	ssyncadd.s32 @!p1 $0xFFFFFF60  }
0x31: {  	[bflag:$0x0] =	sbarrier.arrive $0xFFFF  }
0x32: {  	[tilespmem:s17], [sflag:$0x1] =	stream.indirect.gather [spmem:s4], $0x80, s12, s16, $0xb8;
	[tilespmem:$0x1FD80] =	vst v63  }
0x33: {  	s24 =	simm.s32 $0x1050;
	s25 =	simm.s32 $0x13580  }
0x34: {  	[tilespmem:s25], [sflag:$0x1] =	stream.indirect.gather [spmem:s4], $0x80, s24, s16, $0xb8;
	[tilespmem:$0x1FD80] =	vst v63  }
0x35: {  	s11 =	simm.s32 $0x1D80;
	s10 =	rddreg [dreg:$0x7]  }
0x36: {  	[tilespmem:s11], [sflag:$0x4] =	stream.linear.gather [hbm4b:s10+s5], $0x5000, $0x38;
	[tilespmem:$0x1FD80] =	vst v63  }
0x37: {  	s12 =	simm.s32 $0x10A0  }
0x38: {  	[tilespmem:s22], [sflag:$0x2] =	stream.indirect.gather [spmem:s4], $0x80, s12, s16, $0xb8;
	[tilespmem:$0x1FD80] =	vst v63  }
.Ltmp2:
0x39: {  	_ = 	snop;
	(pc) =	sbr.rel .LBB2_2-.Ltmp2, $4  }
0x3a: {  	s14 =	simm.s32 $0x10F0;
	s23 =	simm.s32 $0x18580  }
0x3b: {  	[tilespmem:s23], [sflag:$0x2] =	stream.indirect.gather [spmem:s4], $0x80, s14, s16, $0xb8;
	[tilespmem:$0x1FD80] =	vst v63  }
0x3c: {  	s24 =	rddreg [dreg:$0x8];
	s25 =	simm.s32 $0x6D80;
	s23 =	simm.s32 $0x0  }
0x3d: {  	[tilespmem:s25], [sflag:$0x5] =	stream.linear.gather [hbm4b:s24+s5], $0x5000, $0x38;
	[tilespmem:$0x1FD80] =	vst v63  }
.LBB2_14:
0x3e: {  	s23 =	sadd.s32 $0x1, s23  }
0x3f: {  	p2 =	sne.s32 s23, $0x7  }
.Ltmp3:
0x40: {  	_ = 	snop;
	(pc) =	sbr.rel @!p2 .LBB2_15-.Ltmp3, $1  }
0x41: {  	_ =	sdelay $0x3  }
.LBB2_2:
0x42: {  	s25 =	smul.u32 $0x3, s23;
	_ =	sdelay $0x1  }
0x43: {  	s24 =	sadd.s32 $0x2, s25  }
0x44: {  	p2 =	sge.u32 s24, s7  }
0x45: {  	p3 =	seq.s32 @!p2 s23, $0x0  }
0x46: {  	p3 =	por p3, p2  }
0x47: {  	s9 =	simm.s32 @!p3 $0x9  }
0x48: {  	s10 =	smul.u32 @!p2 $0x280, s24;
	_ =	swait.ge @!p3 [sflag:s9], $0x5000  }
0x49: {  	[sflag:s9] =	ssyncset.done @!p3 $0x0  }
0x4a: {  	s11 =	simm.s32 @!p2 $0x50;
	[sflag:s9] =	ssyncadd.s32 @!p3 $0xFFFFB000;
	s9 =	sshra.s32 @!p2 s10, $0x2  }
0x4b: {  	s12 =	simm.s32 @!p2 $0x1AD80;
	p3 =	sge.u32 s25, s7;
	s10 =	sadd.s32 @!p2 $0x1000, s9  }
0x4c: {  	[tilespmem:s12], [sflag:$0x3] =	stream.indirect.gather @!p2 [spmem:s4], $0x80, s10, s11, $0xb8;
	[tilespmem:$0x1FD80] =	vst v63  }
.Ltmp4:
0x4d: {  	s14 =	sadd.s32 @!p2 s6, s24;
	(pc) =	sbr.rel @p3 .LBB2_6-.Ltmp4, $4  }
0x4e: {  	s9 =	sadd.s32 @!p2 $0x1050, s9;
	s10 =	simm.s32 @!p2 $0x1D580;
	s12 =	smul.u32 @!p2 $0xA00, s14  }
0x4f: {  	[tilespmem:s10], [sflag:$0x3] =	stream.indirect.gather @!p2 [spmem:s4], $0x80, s9, s11, $0xb8;
	[tilespmem:$0x1FD80] =	vst v63  }
0x50: {  	s9 =	sadd.s32 @!p2 s0, s12;
	s10 =	simm.s32 @!p2 $0x0;
	s11 =	simm.s32 @!p2 $0xBD80  }
0x51: {  	[tilespmem:s11], [sflag:$0x6] =	stream.linear.gather @!p2 [hbm4b:s9+s10], $0x5000, $0x38;
	[tilespmem:$0x1FD80] =	vst v63  }
0x52: {  	_ =	swait.ge [sflag:s26], $0x2800  }
0x53: {  	[sflag:s26] =	ssyncset.done $0x0  }
0x54: {  	[sflag:s26] =	ssyncadd.s32 $0xFFFFD800  }
0x55: {  	_ =	swait.ge [sflag:s26], $0x2800  }
0x56: {  	[sflag:s26] =	ssyncset.done $0x0  }
0x57: {  	[sflag:s26] =	ssyncadd.s32 $0xFFFFD800  }
0x58: {  	_ =	swait.ge [sflag:s28], $0x5000  }
0x59: {  	[sflag:s28] =	ssyncset.done $0x0  }
0x5a: {  	s9 =	simm.s32 $0x0;
	s14 =	simm.s32 $0x400;
	[sflag:s28] =	ssyncadd.s32 $0xFFFFB000  }
.LBB2_4:
0x5b: {  	p3 =	sne.s32 s14, $0x13C00;
	v0 =	vld [tilespmem:s9+$0x1E70]  }
0x5c: {  	v1 =	vld [tilespmem:s9+$0x1D80]  }
0x5d: {  	v2 =	vld [tilespmem:s9+$0x1D90]  }
0x5e: {  	v3 =	vld [tilespmem:s9+$0x1DA0]  }
0x5f: {  	v4 =	vld [tilespmem:s9+$0x1DB0]  }
0x60: {  	[tilespmem:s9+$0x10E70] =	vst.add.f32.msk $0xffff, v0  }
0x61: {  	v0 =	vld [tilespmem:s9+$0x1DC0]  }
0x62: {  	v5 =	vld [tilespmem:s9+$0x1DD0]  }
0x63: {  	v6 =	vld [tilespmem:s9+$0x1DE0]  }
0x64: {  	v7 =	vld [tilespmem:s9+$0x1DF0]  }
0x65: {  	v8 =	vld [tilespmem:s9+$0x1E00]  }
0x66: {  	v9 =	vld [tilespmem:s9+$0x1E10]  }
0x67: {  	v10 =	vld [tilespmem:s9+$0x1E20]  }
0x68: {  	v11 =	vld [tilespmem:s9+$0x1E30]  }
0x69: {  	v12 =	vld [tilespmem:s9+$0x1E40]  }
0x6a: {  	v13 =	vld [tilespmem:s9+$0x1E50]  }
0x6b: {  	v14 =	vld [tilespmem:s9+$0x1E60]  }
0x6c: {  	[tilespmem:s9+$0x10D80] =	vst.add.f32.msk $0xffff, v1  }
0x6d: {  	[tilespmem:s9+$0x10D90] =	vst.add.f32.msk $0xffff, v2  }
0x6e: {  	[tilespmem:s9+$0x10DA0] =	vst.add.f32.msk $0xffff, v3  }
0x6f: {  	[tilespmem:s9+$0x10DB0] =	vst.add.f32.msk $0xffff, v4  }
0x70: {  	[tilespmem:s9+$0x10DC0] =	vst.add.f32.msk $0xffff, v0  }
0x71: {  	[tilespmem:s9+$0x10DD0] =	vst.add.f32.msk $0xffff, v5  }
0x72: {  	[tilespmem:s9+$0x10DE0] =	vst.add.f32.msk $0xffff, v6  }
0x73: {  	[tilespmem:s9+$0x10DF0] =	vst.add.f32.msk $0xffff, v7  }
0x74: {  	[tilespmem:s9+$0x10E00] =	vst.add.f32.msk $0xffff, v8  }
0x75: {  	[tilespmem:s9+$0x10E10] =	vst.add.f32.msk $0xffff, v9  }
.Ltmp5:
0x76: {  	[tilespmem:s9+$0x10E20] =	vst.add.f32.msk $0xffff, v10;
	(pc) =	sbr.rel @p3 .LBB2_4-.Ltmp5, $4  }
0x77: {  	[tilespmem:s9+$0x10E30] =	vst.add.f32.msk $0xffff, v11  }
0x78: {  	[tilespmem:s9+$0x10E40] =	vst.add.f32.msk $0xffff, v12  }
0x79: {  	[tilespmem:s9+$0x10E50] =	vst.add.f32.msk $0xffff, v13  }
0x7a: {  	[tilespmem:s9+$0x10E60] =	vst.add.f32.msk $0xffff, v14;
	s9 =	sshra.s32 s14, $0x2;
	s14 =	sadd.s32 $0x400, s14  }
0x7b: {  	v0 =	vld [tilespmem:s9+$0x1E70]  }
0x7c: {  	v1 =	vld [tilespmem:s9+$0x1D80]  }
0x7d: {  	v2 =	vld [tilespmem:s9+$0x1D90]  }
0x7e: {  	v3 =	vld [tilespmem:s9+$0x1DA0]  }
0x7f: {  	v4 =	vld [tilespmem:s9+$0x1DB0]  }
0x80: {  	v63 =	vld [tilespmem:s9+$0x1DC0]  }
0x81: {  	v5 =	vld [tilespmem:s9+$0x1DD0]  }
0x82: {  	v6 =	vld [tilespmem:s9+$0x1DE0]  }
0x83: {  	v7 =	vld [tilespmem:s9+$0x1DF0]  }
0x84: {  	v8 =	vld [tilespmem:s9+$0x1E00]  }
0x85: {  	v9 =	vld [tilespmem:s9+$0x1E10]  }
0x86: {  	v10 =	vld [tilespmem:s9+$0x1E20]  }
0x87: {  	v11 =	vld [tilespmem:s9+$0x1E30]  }
0x88: {  	v12 =	vld [tilespmem:s9+$0x1E40]  }
0x89: {  	v13 =	vld [tilespmem:s9+$0x1E50]  }
0x8a: {  	v14 =	vld [tilespmem:s9+$0x1E60]  }
0x8b: {  	[tilespmem:s9+$0x10E70] =	vst.add.f32.msk $0xffff, v0  }
0x8c: {  	[tilespmem:s9+$0x10D80] =	vst.add.f32.msk $0xffff, v1  }
0x8d: {  	[tilespmem:s9+$0x10D90] =	vst.add.f32.msk $0xffff, v2  }
0x8e: {  	[tilespmem:s9+$0x10DA0] =	vst.add.f32.msk $0xffff, v3  }
0x8f: {  	[tilespmem:s9+$0x10DB0] =	vst.add.f32.msk $0xffff, v4  }
0x90: {  	[tilespmem:s9+$0x10DC0] =	vst.add.f32.msk $0xffff, v63  }
0x91: {  	[tilespmem:s9+$0x10DD0] =	vst.add.f32.msk $0xffff, v5  }
0x92: {  	[tilespmem:s9+$0x10DE0] =	vst.add.f32.msk $0xffff, v6  }
0x93: {  	[tilespmem:s9+$0x10DF0] =	vst.add.f32.msk $0xffff, v7  }
0x94: {  	[tilespmem:s9+$0x10E00] =	vst.add.f32.msk $0xffff, v8  }
0x95: {  	[tilespmem:s9+$0x10E10] =	vst.add.f32.msk $0xffff, v9  }
0x96: {  	[tilespmem:s9+$0x10E20] =	vst.add.f32.msk $0xffff, v10  }
0x97: {  	s10 =	sadd.s32 s6, s25;
	[tilespmem:s9+$0x10E30] =	vst.add.f32.msk $0xffff, v11  }
0x98: {  	s10 =	smul.u32 $0xA00, s10;
	[tilespmem:s9+$0x10E40] =	vst.add.f32.msk $0xffff, v12  }
0x99: {  	[tilespmem:s9+$0x10E50] =	vst.add.f32.msk $0xffff, v13  }
0x9a: {  	s14 =	sadd.s32 s3, s10;
	[tilespmem:s9+$0x10E60] =	vst.add.f32.msk $0xffff, v14  }
0x9b: {  	[hbm4b:s14+s5] =	stream.linear.scatter [tilespmem:s17], [sflag:$0x7], $0x5000, $0x38;
	[tilespmem:$0x1FD80] =	vst v63  }
.LBB2_6:
0x9c: {  	s9 =	sadd.s32 $0x3, s25  }
0x9d: {  	p3 =	sge.u32 s9, s7  }
0x9e: {  	s10 =	simm.s32 @!p3 $0x7  }
0x9f: {  	s11 =	smul.u32 @!p3 $0x280, s9;
	_ =	swait.ge @!p3 [sflag:s10], $0x5000  }
0xa0: {  	[sflag:s10] =	ssyncset.done @!p3 $0x0  }
0xa1: {  	s12 =	simm.s32 @!p3 $0x50;
	[sflag:s10] =	ssyncadd.s32 @!p3 $0xFFFFB000;
	s10 =	sshra.s32 @!p3 s11, $0x2  }
0xa2: {  	s14 =	simm.s32 @!p3 $0x10D80;
	s9 =	sadd.s32 @!p3 s6, s9;
	s11 =	sadd.s32 @!p3 $0x1000, s10  }
0xa3: {  	[tilespmem:s14], [sflag:$0x1] =	stream.indirect.gather @!p3 [spmem:s4], $0x80, s11, s12, $0xb8;
	[tilespmem:$0x1FD80] =	vst v63  }
0xa4: {  	s9 =	smul.u32 @!p3 $0xA00, s9;
	s10 =	sadd.s32 @!p3 $0x1050, s10;
	s11 =	simm.s32 @!p3 $0x13580  }
0xa5: {  	[tilespmem:s11], [sflag:$0x1] =	stream.indirect.gather @!p3 [spmem:s4], $0x80, s10, s12, $0xb8;
	[tilespmem:$0x1FD80] =	vst v63  }
0xa6: {  	s9 =	sadd.s32 @!p3 s0, s9;
	s10 =	simm.s32 @!p3 $0x0;
	s11 =	simm.s32 @!p3 $0x1D80  }
0xa7: {  	[tilespmem:s11], [sflag:$0x4] =	stream.linear.gather @!p3 [hbm4b:s9+s10], $0x5000, $0x38;
	[tilespmem:$0x1FD80] =	vst v63  }
0xa8: {  	s9 =	sadd.s32 $0x1, s25  }
0xa9: {  	p3 =	sge.u32 s9, s7  }
.Ltmp6:
0xaa: {  	_ = 	snop;
	(pc) =	sbr.rel @p3 .LBB2_10-.Ltmp6, $1  }
0xab: {  	_ =	sdelay $0x3  }
0xac: {  	_ =	swait.ge [sflag:s29], $0x2800  }
0xad: {  	[sflag:s29] =	ssyncset.done $0x0  }
0xae: {  	[sflag:s29] =	ssyncadd.s32 $0xFFFFD800  }
0xaf: {  	_ =	swait.ge [sflag:s29], $0x2800  }
0xb0: {  	[sflag:s29] =	ssyncset.done $0x0  }
0xb1: {  	[sflag:s29] =	ssyncadd.s32 $0xFFFFD800  }
0xb2: {  	_ =	swait.ge [sflag:s30], $0x5000  }
0xb3: {  	[sflag:s30] =	ssyncset.done $0x0  }
0xb4: {  	s14 =	simm.s32 $0x0;
	s10 =	simm.s32 $0x400;
	[sflag:s30] =	ssyncadd.s32 $0xFFFFB000  }
.LBB2_8:
0xb5: {  	p3 =	sne.s32 s10, $0x13C00;
	v0 =	vld [tilespmem:s14+$0x6E70]  }
0xb6: {  	v1 =	vld [tilespmem:s14+$0x6D80]  }
0xb7: {  	v2 =	vld [tilespmem:s14+$0x6D90]  }
0xb8: {  	v3 =	vld [tilespmem:s14+$0x6DA0]  }
0xb9: {  	v4 =	vld [tilespmem:s14+$0x6DB0]  }
0xba: {  	[tilespmem:s14+$0x15E70] =	vst.add.f32.msk $0xffff, v0  }
0xbb: {  	v0 =	vld [tilespmem:s14+$0x6DC0]  }
0xbc: {  	v5 =	vld [tilespmem:s14+$0x6DD0]  }
0xbd: {  	v6 =	vld [tilespmem:s14+$0x6DE0]  }
0xbe: {  	v7 =	vld [tilespmem:s14+$0x6DF0]  }
0xbf: {  	v8 =	vld [tilespmem:s14+$0x6E00]  }
0xc0: {  	v9 =	vld [tilespmem:s14+$0x6E10]  }
0xc1: {  	v10 =	vld [tilespmem:s14+$0x6E20]  }
0xc2: {  	v11 =	vld [tilespmem:s14+$0x6E30]  }
0xc3: {  	v12 =	vld [tilespmem:s14+$0x6E40]  }
0xc4: {  	v13 =	vld [tilespmem:s14+$0x6E50]  }
0xc5: {  	v14 =	vld [tilespmem:s14+$0x6E60]  }
0xc6: {  	[tilespmem:s14+$0x15D80] =	vst.add.f32.msk $0xffff, v1  }
0xc7: {  	[tilespmem:s14+$0x15D90] =	vst.add.f32.msk $0xffff, v2  }
0xc8: {  	[tilespmem:s14+$0x15DA0] =	vst.add.f32.msk $0xffff, v3  }
0xc9: {  	[tilespmem:s14+$0x15DB0] =	vst.add.f32.msk $0xffff, v4  }
0xca: {  	[tilespmem:s14+$0x15DC0] =	vst.add.f32.msk $0xffff, v0  }
0xcb: {  	[tilespmem:s14+$0x15DD0] =	vst.add.f32.msk $0xffff, v5  }
0xcc: {  	[tilespmem:s14+$0x15DE0] =	vst.add.f32.msk $0xffff, v6  }
0xcd: {  	[tilespmem:s14+$0x15DF0] =	vst.add.f32.msk $0xffff, v7  }
0xce: {  	[tilespmem:s14+$0x15E00] =	vst.add.f32.msk $0xffff, v8  }
0xcf: {  	[tilespmem:s14+$0x15E10] =	vst.add.f32.msk $0xffff, v9  }
.Ltmp7:
0xd0: {  	[tilespmem:s14+$0x15E20] =	vst.add.f32.msk $0xffff, v10;
	(pc) =	sbr.rel @p3 .LBB2_8-.Ltmp7, $4  }
0xd1: {  	[tilespmem:s14+$0x15E30] =	vst.add.f32.msk $0xffff, v11  }
0xd2: {  	[tilespmem:s14+$0x15E40] =	vst.add.f32.msk $0xffff, v12  }
0xd3: {  	[tilespmem:s14+$0x15E50] =	vst.add.f32.msk $0xffff, v13  }
0xd4: {  	[tilespmem:s14+$0x15E60] =	vst.add.f32.msk $0xffff, v14;
	s14 =	sshra.s32 s10, $0x2;
	s10 =	sadd.s32 $0x400, s10  }
0xd5: {  	v0 =	vld [tilespmem:s14+$0x6E70]  }
0xd6: {  	v1 =	vld [tilespmem:s14+$0x6D80]  }
0xd7: {  	v2 =	vld [tilespmem:s14+$0x6D90]  }
0xd8: {  	v3 =	vld [tilespmem:s14+$0x6DA0]  }
0xd9: {  	v4 =	vld [tilespmem:s14+$0x6DB0]  }
0xda: {  	v63 =	vld [tilespmem:s14+$0x6DC0]  }
0xdb: {  	v5 =	vld [tilespmem:s14+$0x6DD0]  }
0xdc: {  	v6 =	vld [tilespmem:s14+$0x6DE0]  }
0xdd: {  	v7 =	vld [tilespmem:s14+$0x6DF0]  }
0xde: {  	v8 =	vld [tilespmem:s14+$0x6E00]  }
0xdf: {  	v9 =	vld [tilespmem:s14+$0x6E10]  }
0xe0: {  	v10 =	vld [tilespmem:s14+$0x6E20]  }
0xe1: {  	v11 =	vld [tilespmem:s14+$0x6E30]  }
0xe2: {  	v12 =	vld [tilespmem:s14+$0x6E40]  }
0xe3: {  	v13 =	vld [tilespmem:s14+$0x6E50]  }
0xe4: {  	v14 =	vld [tilespmem:s14+$0x6E60]  }
0xe5: {  	[tilespmem:s14+$0x15E70] =	vst.add.f32.msk $0xffff, v0  }
0xe6: {  	[tilespmem:s14+$0x15D80] =	vst.add.f32.msk $0xffff, v1  }
0xe7: {  	[tilespmem:s14+$0x15D90] =	vst.add.f32.msk $0xffff, v2  }
0xe8: {  	[tilespmem:s14+$0x15DA0] =	vst.add.f32.msk $0xffff, v3  }
0xe9: {  	[tilespmem:s14+$0x15DB0] =	vst.add.f32.msk $0xffff, v4  }
0xea: {  	[tilespmem:s14+$0x15DC0] =	vst.add.f32.msk $0xffff, v63  }
0xeb: {  	[tilespmem:s14+$0x15DD0] =	vst.add.f32.msk $0xffff, v5  }
0xec: {  	[tilespmem:s14+$0x15DE0] =	vst.add.f32.msk $0xffff, v6  }
0xed: {  	[tilespmem:s14+$0x15DF0] =	vst.add.f32.msk $0xffff, v7  }
0xee: {  	[tilespmem:s14+$0x15E00] =	vst.add.f32.msk $0xffff, v8  }
0xef: {  	[tilespmem:s14+$0x15E10] =	vst.add.f32.msk $0xffff, v9  }
0xf0: {  	[tilespmem:s14+$0x15E20] =	vst.add.f32.msk $0xffff, v10  }
0xf1: {  	s9 =	sadd.s32 s6, s9;
	[tilespmem:s14+$0x15E30] =	vst.add.f32.msk $0xffff, v11  }
0xf2: {  	s9 =	smul.u32 $0xA00, s9;
	[tilespmem:s14+$0x15E40] =	vst.add.f32.msk $0xffff, v12  }
0xf3: {  	[tilespmem:s14+$0x15E50] =	vst.add.f32.msk $0xffff, v13  }
0xf4: {  	s9 =	sadd.s32 s3, s9;
	[tilespmem:s14+$0x15E60] =	vst.add.f32.msk $0xffff, v14  }
0xf5: {  	[hbm4b:s9+s5] =	stream.linear.scatter [tilespmem:s22], [sflag:$0x8], $0x5000, $0x38;
	[tilespmem:$0x1FD80] =	vst v63  }
.LBB2_10:
0xf6: {  	s9 =	sadd.s32 $0x4, s25  }
0xf7: {  	p3 =	sge.u32 s9, s7  }
0xf8: {  	s10 =	simm.s32 @!p3 $0x8  }
0xf9: {  	s11 =	smul.u32 @!p3 $0x280, s9;
	_ =	swait.ge @!p3 [sflag:s10], $0x5000  }
0xfa: {  	[sflag:s10] =	ssyncset.done @!p3 $0x0  }
0xfb: {  	[sflag:s10] =	ssyncadd.s32 @!p3 $0xFFFFB000;
	s10 =	sshra.s32 @!p3 s11, $0x2  }
0xfc: {  	s12 =	simm.s32 @!p3 $0x50;
	s14 =	simm.s32 @!p3 $0x15D80;
	s11 =	sadd.s32 @!p3 $0x1000, s10  }
0xfd: {  	[tilespmem:s14], [sflag:$0x2] =	stream.indirect.gather @!p3 [spmem:s4], $0x80, s11, s12, $0xb8;
	[tilespmem:$0x1FD80] =	vst v63  }
.Ltmp8:
0xfe: {  	s9 =	sadd.s32 @!p3 s6, s9;
	(pc) =	sbr.rel @p2 .LBB2_14-.Ltmp8, $4  }
0xff: {  	s9 =	smul.u32 @!p3 $0xA00, s9;
	s10 =	sadd.s32 @!p3 $0x1050, s10;
	s11 =	simm.s32 @!p3 $0x18580  }
0x100: {  	[tilespmem:s11], [sflag:$0x2] =	stream.indirect.gather @!p3 [spmem:s4], $0x80, s10, s12, $0xb8;
	[tilespmem:$0x1FD80] =	vst v63  }
0x101: {  	s9 =	sadd.s32 @!p3 s0, s9;
	s10 =	simm.s32 @!p3 $0x0;
	s11 =	simm.s32 @!p3 $0x6D80  }
0x102: {  	[tilespmem:s11], [sflag:$0x5] =	stream.linear.gather @!p3 [hbm4b:s9+s10], $0x5000, $0x38;
	[tilespmem:$0x1FD80] =	vst v63  }
0x103: {  	_ =	swait.ge [sflag:s31], $0x2800  }
0x104: {  	[sflag:s31] =	ssyncset.done $0x0  }
0x105: {  	[sflag:s31] =	ssyncadd.s32 $0xFFFFD800  }
0x106: {  	_ =	swait.ge [sflag:s31], $0x2800  }
0x107: {  	[sflag:s31] =	ssyncset.done $0x0  }
0x108: {  	[sflag:s31] =	ssyncadd.s32 $0xFFFFD800  }
0x109: {  	_ =	swait.ge [sflag:s2], $0x5000  }
0x10a: {  	[sflag:s2] =	ssyncset.done $0x0  }
0x10b: {  	s9 =	simm.s32 $0x0;
	s10 =	simm.s32 $0x400;
	[sflag:s2] =	ssyncadd.s32 $0xFFFFB000  }
.LBB2_12:
0x10c: {  	p2 =	sne.s32 s10, $0x13C00;
	v0 =	vld [tilespmem:s9+$0xBE70]  }
0x10d: {  	v1 =	vld [tilespmem:s9+$0xBD80]  }
0x10e: {  	v2 =	vld [tilespmem:s9+$0xBD90]  }
0x10f: {  	v3 =	vld [tilespmem:s9+$0xBDA0]  }
0x110: {  	v4 =	vld [tilespmem:s9+$0xBDB0]  }
0x111: {  	[tilespmem:s9+$0x1AE70] =	vst.add.f32.msk $0xffff, v0  }
0x112: {  	v0 =	vld [tilespmem:s9+$0xBDC0]  }
0x113: {  	v5 =	vld [tilespmem:s9+$0xBDD0]  }
0x114: {  	v6 =	vld [tilespmem:s9+$0xBDE0]  }
0x115: {  	v7 =	vld [tilespmem:s9+$0xBDF0]  }
0x116: {  	v8 =	vld [tilespmem:s9+$0xBE00]  }
0x117: {  	v9 =	vld [tilespmem:s9+$0xBE10]  }
0x118: {  	v10 =	vld [tilespmem:s9+$0xBE20]  }
0x119: {  	v11 =	vld [tilespmem:s9+$0xBE30]  }
0x11a: {  	v12 =	vld [tilespmem:s9+$0xBE40]  }
0x11b: {  	v13 =	vld [tilespmem:s9+$0xBE50]  }
0x11c: {  	v14 =	vld [tilespmem:s9+$0xBE60]  }
0x11d: {  	[tilespmem:s9+$0x1AD80] =	vst.add.f32.msk $0xffff, v1  }
0x11e: {  	[tilespmem:s9+$0x1AD90] =	vst.add.f32.msk $0xffff, v2  }
0x11f: {  	[tilespmem:s9+$0x1ADA0] =	vst.add.f32.msk $0xffff, v3  }
0x120: {  	[tilespmem:s9+$0x1ADB0] =	vst.add.f32.msk $0xffff, v4  }
0x121: {  	[tilespmem:s9+$0x1ADC0] =	vst.add.f32.msk $0xffff, v0  }
0x122: {  	[tilespmem:s9+$0x1ADD0] =	vst.add.f32.msk $0xffff, v5  }
0x123: {  	[tilespmem:s9+$0x1ADE0] =	vst.add.f32.msk $0xffff, v6  }
0x124: {  	[tilespmem:s9+$0x1ADF0] =	vst.add.f32.msk $0xffff, v7  }
0x125: {  	[tilespmem:s9+$0x1AE00] =	vst.add.f32.msk $0xffff, v8  }
0x126: {  	[tilespmem:s9+$0x1AE10] =	vst.add.f32.msk $0xffff, v9  }
.Ltmp9:
0x127: {  	[tilespmem:s9+$0x1AE20] =	vst.add.f32.msk $0xffff, v10;
	(pc) =	sbr.rel @p2 .LBB2_12-.Ltmp9, $4  }
0x128: {  	[tilespmem:s9+$0x1AE30] =	vst.add.f32.msk $0xffff, v11  }
0x129: {  	[tilespmem:s9+$0x1AE40] =	vst.add.f32.msk $0xffff, v12  }
0x12a: {  	[tilespmem:s9+$0x1AE50] =	vst.add.f32.msk $0xffff, v13  }
0x12b: {  	[tilespmem:s9+$0x1AE60] =	vst.add.f32.msk $0xffff, v14;
	s9 =	sshra.s32 s10, $0x2;
	s10 =	sadd.s32 $0x400, s10  }
0x12c: {  	v0 =	vld [tilespmem:s9+$0xBE70]  }
0x12d: {  	v1 =	vld [tilespmem:s9+$0xBD80]  }
0x12e: {  	v2 =	vld [tilespmem:s9+$0xBD90]  }
0x12f: {  	v3 =	vld [tilespmem:s9+$0xBDA0]  }
0x130: {  	v4 =	vld [tilespmem:s9+$0xBDB0]  }
0x131: {  	v63 =	vld [tilespmem:s9+$0xBDC0]  }
0x132: {  	v5 =	vld [tilespmem:s9+$0xBDD0]  }
0x133: {  	v6 =	vld [tilespmem:s9+$0xBDE0]  }
0x134: {  	v7 =	vld [tilespmem:s9+$0xBDF0]  }
0x135: {  	v8 =	vld [tilespmem:s9+$0xBE00]  }
0x136: {  	v9 =	vld [tilespmem:s9+$0xBE10]  }
0x137: {  	v10 =	vld [tilespmem:s9+$0xBE20]  }
0x138: {  	v11 =	vld [tilespmem:s9+$0xBE30]  }
0x139: {  	v12 =	vld [tilespmem:s9+$0xBE40]  }
0x13a: {  	v13 =	vld [tilespmem:s9+$0xBE50]  }
0x13b: {  	v14 =	vld [tilespmem:s9+$0xBE60]  }
0x13c: {  	[tilespmem:s9+$0x1AE70] =	vst.add.f32.msk $0xffff, v0  }
0x13d: {  	[tilespmem:s9+$0x1AD80] =	vst.add.f32.msk $0xffff, v1  }
0x13e: {  	[tilespmem:s9+$0x1AD90] =	vst.add.f32.msk $0xffff, v2  }
0x13f: {  	[tilespmem:s9+$0x1ADA0] =	vst.add.f32.msk $0xffff, v3  }
0x140: {  	[tilespmem:s9+$0x1ADB0] =	vst.add.f32.msk $0xffff, v4  }
0x141: {  	[tilespmem:s9+$0x1ADC0] =	vst.add.f32.msk $0xffff, v63  }
0x142: {  	[tilespmem:s9+$0x1ADD0] =	vst.add.f32.msk $0xffff, v5  }
0x143: {  	[tilespmem:s9+$0x1ADE0] =	vst.add.f32.msk $0xffff, v6  }
0x144: {  	[tilespmem:s9+$0x1ADF0] =	vst.add.f32.msk $0xffff, v7  }
0x145: {  	[tilespmem:s9+$0x1AE00] =	vst.add.f32.msk $0xffff, v8  }
0x146: {  	[tilespmem:s9+$0x1AE10] =	vst.add.f32.msk $0xffff, v9  }
0x147: {  	[tilespmem:s9+$0x1AE20] =	vst.add.f32.msk $0xffff, v10  }
.Ltmp10:
0x148: {  	s10 =	sadd.s32 s6, s24;
	[tilespmem:s9+$0x1AE30] =	vst.add.f32.msk $0xffff, v11;
	(pc) =	sbr.rel .LBB2_14-.Ltmp10, $4  }
0x149: {  	s10 =	smul.u32 $0xA00, s10;
	[tilespmem:s9+$0x1AE40] =	vst.add.f32.msk $0xffff, v12  }
0x14a: {  	[tilespmem:s9+$0x1AE50] =	vst.add.f32.msk $0xffff, v13  }
0x14b: {  	s25 =	sadd.s32 s3, s10;
	[tilespmem:s9+$0x1AE60] =	vst.add.f32.msk $0xffff, v14  }
0x14c: {  	[hbm4b:s25+s5] =	stream.linear.scatter [tilespmem:s1], [sflag:$0x9], $0x5000, $0x38;
	[tilespmem:$0x1FD80] =	vst v63  }
.LBB2_16:
0x14d: {  	_ =	sfence.sel $0x180000  }
0x14e: {  	[bflag:$0x0] =	sbarrier.arrive $0xFFFF  }
0x14f: {  	_ =	strace $0x90000047  }
0x150: {  	[bflag:$0x2] =	sbarrier.arrive $0xFFFF  }
0x151: {  	s0 =	rddreg [dreg:$0x5]  }
0x152: {  	s0 =	sadd.s32 @!p0 $0x100000, s0  }
0x153: {  	[sflag:s0] =	ssyncadd.tile.s32 @!p0 $0x1;
	_ =	shalt  }
.Lfunc_end2:
_tile_overlayer_lowered:
.L_overlay_start_2:
0x154: {  	(tag) =	ssettag $0x2  }
0x155: {  	s0 =	rddreg [dreg:$0x0];
	s2 =	stileid.u32  }
0x156: {  	s1 =	rddreg [dreg:$0x1];
	p0 =	sne.s32 s2, $0x0  }
0x157: {  	s3 =	rddreg [dreg:$0x2];
	[bflag:$0x3] =	sbarrier.arrive $0xFFFF;
	s2 =	simm.s32 @!p0 $0x1C0A  }
0x158: {  	[timem:s3], [sflag:s2] =	dma.local @!p0 [hbm:s0], s1  }
0x159: {  	s0 =	simm.s32 @!p0 $0xA  }
0x15a: {  	_ =	swait.ge @!p0 [sflag:s0], s1  }
0x15b: {  	s1 =	ssub.s32 @!p0 $0x0, s1;
	[sflag:s0] =	ssyncset.done @!p0 $0x0  }
0x15c: {  	[sflag:s0] =	ssyncadd.s32 @!p0 s1  }
0x15d: {  	[bflag:$0x3] =	sbarrier.arrive $0xFFFF  }
0x15e: {  	_ =	shalt  }

</sc_bundles>
